<compile_context>
chip_gen: v7x
topology: tpu7x:2x2x1
jax: 0.10.2.dev20260603
libtpu: 0.0.44.dev20260713+nightly
codegen_flags: <defaults>
</compile_context>

<pallas_src>
import functools

import jax
import jax.numpy as jnp
from jax import lax
from jax.experimental import pallas as pl
from jax.experimental.pallas import tpu as pltpu
from jax.experimental.pallas import tpu_sc as plsc

N = 8192
K = 8192
C = 32
B = 8
HW = 1024
NB = 512
QB = HW // NB
PATCH = 128
NC, NS = 2, 16
BPW = N // (NC * NS)


def _top2_body(z_ref, cbt_ref, idx_ref, gap_ref, cb128_ref):
    zb = z_ref[...]
    cbt = cbt_ref[...]
    l = jnp.dot(zb, cbt, preferred_element_type=jnp.float32)
    m1 = jnp.max(l, axis=1)
    i1 = jnp.argmax(l, axis=1).astype(jnp.int32)
    runner = jnp.where(l < m1[:, None], l, -jnp.inf)
    m2 = jnp.max(runner, axis=1)
    idx_ref[0, 0, :] = i1
    gap_ref[0, 0, :] = m1 - m2
    p = pl.program_id(0)
    slab = jnp.transpose(cbt_ref[:, pl.ds(p * NB, NB)], (1, 0))
    cb128_ref[...] = jnp.concatenate(
        [slab.astype(jnp.float32), jnp.zeros((NB, 128 - C), jnp.float32)],
        axis=1)


_top2 = pl.pallas_call(
    _top2_body,
    grid=(N // NB,),
    in_specs=[
        pl.BlockSpec((NB, C), lambda i: (i, 0)),
        pl.BlockSpec((C, K), lambda i: (0, 0)),
    ],
    out_specs=[
        pl.BlockSpec((1, 1, NB), lambda i: (i, 0, 0)),
        pl.BlockSpec((1, 1, NB), lambda i: (i, 0, 0)),
        pl.BlockSpec((NB, 128), lambda i: (i, 0)),
    ],
    out_shape=[
        jax.ShapeDtypeStruct((N // NB, 1, NB), jnp.int32),
        jax.ShapeDtypeStruct((N // NB, 1, NB), jnp.float32),
        jax.ShapeDtypeStruct((K, 128), jnp.float32),
    ],
)


def _sc_gather_hist_body(cb_hbm, idx_hbm, q_hbm, cnt_hbm,
                         idx_v, rows_v, ones_v, zeros_v, shared_cnt, sem):
    c = lax.axis_index("c")
    s = lax.axis_index("s")
    wid = c * NS + s
    base = wid * BPW
    pltpu.sync_copy(idx_hbm.at[pl.ds(base, BPW)], idx_v)
    gather = pltpu.async_copy(cb_hbm.at[idx_v], rows_v, sem)
    for i in range(BPW // 16):
        ones_v[pl.ds(16 * i, 16)] = jnp.ones((16,), jnp.float32)
        zeros_v[pl.ds(16 * i, 16)] = jnp.zeros((16,), jnp.float32)
    half = K // NS
    pltpu.sync_copy(zeros_v, shared_cnt.at[pl.ds(s * half, BPW)])
    pltpu.sync_copy(zeros_v, shared_cnt.at[pl.ds(s * half + BPW, BPW)])
    plsc.subcore_barrier()
    pltpu.sync_copy(ones_v, shared_cnt.at[idx_v], add=True)
    gather.wait()
    pltpu.sync_copy(rows_v, q_hbm.at[pl.ds(base, BPW)])
    plsc.subcore_barrier()
    pltpu.sync_copy(shared_cnt.at[pl.ds(s * half, half)],
                    cnt_hbm.at[c, pl.ds(s * half, half)])


@functools.cache
def _sc_gather_hist():
    return pl.kernel(
        _sc_gather_hist_body,
        mesh=plsc.VectorSubcoreMesh(core_axis_name="c", subcore_axis_name="s"),
        out_type=[
            jax.ShapeDtypeStruct((N, 128), jnp.float32),
            jax.ShapeDtypeStruct((NC, K), jnp.float32),
        ],
        scratch_types=[
            pltpu.VMEM((BPW,), jnp.int32),
            pltpu.VMEM((BPW, 128), jnp.float32),
            pltpu.VMEM((BPW,), jnp.float32),
            pltpu.VMEM((BPW,), jnp.float32),
            pltpu.VMEM_SHARED((K,), jnp.float32),
            pltpu.SemaphoreType.DMA,
        ],
    )


def _stats_body(z_ref, q_ref, cnt_ref, qz_ref, pp_ref, lvq_ref, lc_ref,
                sse_ref):
    b = pl.program_id(0)
    qt = jnp.transpose(q_ref[..., :C], (1, 0))
    qz_ref[0] = qt
    diff = z_ref[0] - qt
    sse = jnp.sum(diff * diff)

    @pl.when(b == 0)
    def _():
        sse_ref[0] = 0.0

    sse_ref[0] += sse

    @pl.when(b == B - 1)
    def _():
        cnt = cnt_ref[...]
        counts = cnt[0:1, :] + cnt[1:2, :]
        p = counts * (1.0 / N)
        ent = -jnp.sum(p * jnp.log(jnp.clip(p, 1e-10, None)))
        mse = sse_ref[0] / (N * C)
        pp_ref[...] = jnp.exp(ent).reshape(1, 1)
        lvq_ref[...] = (2.0 * mse).reshape(1, 1)
        lc_ref[...] = mse.reshape(1, 1)


_stats = pl.pallas_call(
    _stats_body,
    grid=(B,),
    in_specs=[
        pl.BlockSpec((1, C, HW), lambda b: (b, 0, 0)),
        pl.BlockSpec((HW, 128), lambda b: (b, 0)),
        pl.BlockSpec((NC, K), lambda b: (0, 0)),
    ],
    out_specs=[
        pl.BlockSpec((1, C, HW), lambda b: (b, 0, 0)),
        pl.BlockSpec((1, 1), lambda b: (0, 0)),
        pl.BlockSpec((1, 1), lambda b: (0, 0)),
        pl.BlockSpec((1, 1), lambda b: (0, 0)),
    ],
    out_shape=[
        jax.ShapeDtypeStruct((B, C, HW), jnp.float32),
        jax.ShapeDtypeStruct((1, 1), jnp.float32),
        jax.ShapeDtypeStruct((1, 1), jnp.float32),
        jax.ShapeDtypeStruct((1, 1), jnp.float32),
    ],
    scratch_shapes=[pltpu.SMEM((1,), jnp.float32)],
)


def kernel(z, codebook):
    Bz, Cz, H, W = z.shape
    z3 = z.reshape(Bz, Cz, H * W)
    fz = jnp.transpose(z, (0, 2, 3, 1)).reshape(-1, Cz)
    cbt_bf = codebook.T.astype(jnp.bfloat16)
    idx_b, gap_b, cb128 = _top2(fz.astype(jnp.bfloat16), cbt_bf)
    i1 = idx_b.reshape(-1)
    gap = gap_b.reshape(-1)
    _, rows = lax.top_k(-gap, PATCH)
    sub_z = fz[rows]
    sub = jnp.dot(sub_z, codebook.T)
    subidx = jnp.argmax(jax.nn.softmax(sub, axis=1), axis=1).astype(i1.dtype)
    indices = i1.at[rows].set(subidx)
    q128, cnt2 = _sc_gather_hist()(cb128, indices)
    qz3, pp, lvq, lc = _stats(z3, q128, cnt2)
    quantized_z = qz3.reshape(Bz, Cz, H, W)
    return quantized_z, indices, pp[0, 0], lvq[0, 0], lc[0, 0]

# --- scband reference (transcript-rebuilt; emitter-appended) ---
"""Pipeline reference for scband-index-backpropagation-quantizer-72241349918908 (READ-ONLY COPY).

The authoritative reference and input builder live on the scoring server;
editing this copy changes nothing except your own understanding.
"""

import jax, jax.numpy as jnp
import numpy as np


def setup_inputs(seed: int = 0) -> dict:
    key = jax.random.key(seed)
    k1, k2 = jax.random.split(key)
    z = jax.random.normal(k1, (8, 32, 32, 32), dtype=jnp.float32)
    codebook = jax.random.uniform(k2, (8192, 32), dtype=jnp.float32, minval=-1.0 / 8192, maxval=1.0 / 8192)
    return {"z": z, "codebook": codebook}


def reference(z, codebook):
    B, C, H, W = z.shape
    K = codebook.shape[0]
    flat_z = jnp.transpose(z, (0, 2, 3, 1)).reshape(-1, C)
    logits = flat_z @ codebook.T
    indices_soft = jax.nn.softmax(logits, axis=1)
    indices = jnp.argmax(indices_soft, axis=1)
    quantized_z_prime = jnp.take(codebook, indices, axis=0).reshape(B, H, W, C).transpose(0, 3, 1, 2)
    loss_vq = jnp.mean((jax.lax.stop_gradient(z) - quantized_z_prime) ** 2)
    loss_commit = jnp.mean((z - jax.lax.stop_gradient(quantized_z_prime)) ** 2)
    indices_hard = jax.nn.one_hot(indices, K, dtype=jnp.float32)
    indices_hard_st = indices_hard - jax.lax.stop_gradient(indices_soft) + indices_soft
    quantized_z = (indices_hard_st @ codebook).reshape(B, H, W, C).transpose(0, 3, 1, 2)
    loss_vq = loss_vq + jnp.mean((quantized_z - z) ** 2)
    probs = jnp.mean(indices_hard, axis=0)
    perplexity = jnp.exp(-jnp.sum(probs * jnp.log(jnp.clip(probs, 1e-10, None))))
    return quantized_z, indices, perplexity, loss_vq, loss_commit

if __name__ == "__main__":
    import jax
    _d = setup_inputs()
    print(jax.jit(kernel)(*tuple(_d.values())))

</pallas_src>

<mosaic_0001>
#map = affine_map<(d0, d1) -> (0, 0)>
#map1 = affine_map<(d0, d1) -> (0)>
module attributes {stable_mosaic.version = 14 : i64} {
  func.func @_sc_gather_hist_body(%arg0: i32, %arg1: i32, %arg2: memref<8192x128xf32, #tpu.memory_space<hbm>>, %arg3: memref<8192xi32, #tpu.memory_space<hbm>>, %arg4: memref<8192x128xf32, #tpu.memory_space<hbm>>, %arg5: memref<2x8192xf32, #tpu.memory_space<hbm>>, %arg6: memref<256xi32, #tpu.memory_space<vmem>>, %arg7: memref<256x128xf32, #tpu.memory_space<vmem>>, %arg8: memref<256xf32, #tpu.memory_space<vmem>>, %arg9: memref<256xf32, #tpu.memory_space<vmem>>, %arg10: memref<8192xf32, #tpu.memory_space<vmem_shared>>, %arg11: memref<!tpu.dma_semaphore, #tpu.memory_space<semaphore_mem>>) attributes {dimension_semantics = [#tpu.dimension_semantics<core_parallel>, #tpu.dimension_semantics<subcore_parallel>], iteration_bounds = array<i64: 2, 16>, scalar_prefetch = 0 : i64, scratch_operands = 6 : i64, tpu.core_type = #tpu.core_type<sc_vector_subcore>, window_params = [{transform_indices = #map}, {transform_indices = #map1}, {transform_indices = #map}, {transform_indices = #map}]} {
    %mul3A = arith.constant 16 : i32
    %mul3A_0 = arith.muli %arg0, %mul3A : i32
    %add3A = arith.addi %mul3A_0, %arg1 : i32
    %mul3A_1 = arith.constant 256 : i32
    %mul3A_2 = arith.muli %add3A, %mul3A_1 : i32
    "tpu.region"() ({
      %run_scoped3A = tpu.sem_alloc : memref<!tpu.dma_semaphore, #tpu.memory_space<semaphore_mem>>
      %dma_start3A_208 = tpu.memref_slice %arg3[%mul3A_2] : memref<8192xi32, #tpu.memory_space<hbm>> -> memref<256xi32, #tpu.memory_space<hbm>>
      %dma_start3A_209 = tpu.memref_slice %arg3[%mul3A_2] : memref<8192xi32, #tpu.memory_space<hbm>> -> memref<256xi32, #tpu.memory_space<hbm>>
      tpu.enqueue_dma source(%dma_start3A_209 : memref<256xi32, #tpu.memory_space<hbm>>) target(%arg6 : memref<256xi32, #tpu.memory_space<vmem>>) target_semaphore(%run_scoped3A : memref<!tpu.dma_semaphore, #tpu.memory_space<semaphore_mem>>)
      %dma_wait3A_210 = tpu.memref_slice %arg3[%mul3A_2] : memref<8192xi32, #tpu.memory_space<hbm>> -> memref<256xi32, #tpu.memory_space<hbm>>
      %dma_wait3A_211 = tpu.memref_slice %arg3[%mul3A_2] : memref<8192xi32, #tpu.memory_space<hbm>> -> memref<256xi32, #tpu.memory_space<hbm>>
      tpu.wait_dma2 semaphore(%run_scoped3A : memref<!tpu.dma_semaphore, #tpu.memory_space<semaphore_mem>>) src(%dma_wait3A_211 : memref<256xi32, #tpu.memory_space<hbm>>) dst(%arg6 : memref<256xi32, #tpu.memory_space<vmem>>)
      tpu.yield
    }) : () -> ()
    %dma_start3A = arith.constant 0 : i32
    %dma_start3A_3 = arith.constant 0 : i32
    %dma_start3A_4 = tpu.memref_slice %arg2[%dma_start3A, %dma_start3A_3] : memref<8192x128xf32, #tpu.memory_space<hbm>> -> memref<8192x128xf32, #tpu.memory_space<hbm>>
    tpu.enqueue_indirect_dma source(%dma_start3A_4 : memref<8192x128xf32, #tpu.memory_space<hbm>>) target(%arg7 : memref<256x128xf32, #tpu.memory_space<vmem>>) offsets(%arg6 : memref<256xi32, #tpu.memory_space<vmem>>) semaphore(%arg11 : memref<!tpu.dma_semaphore, #tpu.memory_space<semaphore_mem>>)
    %broadcast_in_dim3A = arith.constant 1.000000e+00 : f32
    %broadcast_in_dim3A_5 = vector.broadcast %broadcast_in_dim3A : f32 to vector<16xf32>
    %swap3A = arith.constant 0 : index
    %swap3A_6 = tpu.vector_load %arg8[%swap3A] {strides = array<i32>} : memref<256xf32, #tpu.memory_space<vmem>>, vector<16xf32>,
    %swap3A_7 = vector.shape_cast %swap3A_6 : vector<16xf32> to vector<16xf32>
    %swap3A_8 = vector.shape_cast %broadcast_in_dim3A_5 : vector<16xf32> to vector<16xf32>
    tpu.vector_store %arg8[%swap3A], %swap3A_8 {strides = array<i32>} : memref<256xf32, #tpu.memory_space<vmem>>, vector<16xf32>,
    %broadcast_in_dim3A_9 = arith.constant 0.000000e+00 : f32
    %broadcast_in_dim3A_10 = vector.broadcast %broadcast_in_dim3A_9 : f32 to vector<16xf32>
    %swap3A_11 = arith.constant 0 : index
    %swap3A_12 = tpu.vector_load %arg9[%swap3A_11] {strides = array<i32>} : memref<256xf32, #tpu.memory_space<vmem>>, vector<16xf32>,
    %swap3A_13 = vector.shape_cast %swap3A_12 : vector<16xf32> to vector<16xf32>
    %swap3A_14 = vector.shape_cast %broadcast_in_dim3A_10 : vector<16xf32> to vector<16xf32>
    tpu.vector_store %arg9[%swap3A_11], %swap3A_14 {strides = array<i32>} : memref<256xf32, #tpu.memory_space<vmem>>, vector<16xf32>,
    %broadcast_in_dim3A_15 = arith.constant 1.000000e+00 : f32
    %broadcast_in_dim3A_16 = vector.broadcast %broadcast_in_dim3A_15 : f32 to vector<16xf32>
    %swap3A_17 = arith.constant 16 : index
    %swap3A_18 = tpu.vector_load %arg8[%swap3A_17] {strides = array<i32>} : memref<256xf32, #tpu.memory_space<vmem>>, vector<16xf32>,
    %swap3A_19 = vector.shape_cast %swap3A_18 : vector<16xf32> to vector<16xf32>
    %swap3A_20 = vector.shape_cast %broadcast_in_dim3A_16 : vector<16xf32> to vector<16xf32>
    tpu.vector_store %arg8[%swap3A_17], %swap3A_20 {strides = array<i32>} : memref<256xf32, #tpu.memory_space<vmem>>, vector<16xf32>,
    %broadcast_in_dim3A_21 = arith.constant 0.000000e+00 : f32
    %broadcast_in_dim3A_22 = vector.broadcast %broadcast_in_dim3A_21 : f32 to vector<16xf32>
    %swap3A_23 = arith.constant 16 : index
    %swap3A_24 = tpu.vector_load %arg9[%swap3A_23] {strides = array<i32>} : memref<256xf32, #tpu.memory_space<vmem>>, vector<16xf32>,
    %swap3A_25 = vector.shape_cast %swap3A_24 : vector<16xf32> to vector<16xf32>
    %swap3A_26 = vector.shape_cast %broadcast_in_dim3A_22 : vector<16xf32> to vector<16xf32>
    tpu.vector_store %arg9[%swap3A_23], %swap3A_26 {strides = array<i32>} : memref<256xf32, #tpu.memory_space<vmem>>, vector<16xf32>,
    %broadcast_in_dim3A_27 = arith.constant 1.000000e+00 : f32
    %broadcast_in_dim3A_28 = vector.broadcast %broadcast_in_dim3A_27 : f32 to vector<16xf32>
    %swap3A_29 = arith.constant 32 : index
    %swap3A_30 = tpu.vector_load %arg8[%swap3A_29] {strides = array<i32>} : memref<256xf32, #tpu.memory_space<vmem>>, vector<16xf32>,
    %swap3A_31 = vector.shape_cast %swap3A_30 : vector<16xf32> to vector<16xf32>
    %swap3A_32 = vector.shape_cast %broadcast_in_dim3A_28 : vector<16xf32> to vector<16xf32>
    tpu.vector_store %arg8[%swap3A_29], %swap3A_32 {strides = array<i32>} : memref<256xf32, #tpu.memory_space<vmem>>, vector<16xf32>,
    %broadcast_in_dim3A_33 = arith.constant 0.000000e+00 : f32
    %broadcast_in_dim3A_34 = vector.broadcast %broadcast_in_dim3A_33 : f32 to vector<16xf32>
    %swap3A_35 = arith.constant 32 : index
    %swap3A_36 = tpu.vector_load %arg9[%swap3A_35] {strides = array<i32>} : memref<256xf32, #tpu.memory_space<vmem>>, vector<16xf32>,
    %swap3A_37 = vector.shape_cast %swap3A_36 : vector<16xf32> to vector<16xf32>
    %swap3A_38 = vector.shape_cast %broadcast_in_dim3A_34 : vector<16xf32> to vector<16xf32>
    tpu.vector_store %arg9[%swap3A_35], %swap3A_38 {strides = array<i32>} : memref<256xf32, #tpu.memory_space<vmem>>, vector<16xf32>,
    %broadcast_in_dim3A_39 = arith.constant 1.000000e+00 : f32
    %broadcast_in_dim3A_40 = vector.broadcast %broadcast_in_dim3A_39 : f32 to vector<16xf32>
    %swap3A_41 = arith.constant 48 : index
    %swap3A_42 = tpu.vector_load %arg8[%swap3A_41] {strides = array<i32>} : memref<256xf32, #tpu.memory_space<vmem>>, vector<16xf32>,
    %swap3A_43 = vector.shape_cast %swap3A_42 : vector<16xf32> to vector<16xf32>
    %swap3A_44 = vector.shape_cast %broadcast_in_dim3A_40 : vector<16xf32> to vector<16xf32>
    tpu.vector_store %arg8[%swap3A_41], %swap3A_44 {strides = array<i32>} : memref<256xf32, #tpu.memory_space<vmem>>, vector<16xf32>,
    %broadcast_in_dim3A_45 = arith.constant 0.000000e+00 : f32
    %broadcast_in_dim3A_46 = vector.broadcast %broadcast_in_dim3A_45 : f32 to vector<16xf32>
    %swap3A_47 = arith.constant 48 : index
    %swap3A_48 = tpu.vector_load %arg9[%swap3A_47] {strides = array<i32>} : memref<256xf32, #tpu.memory_space<vmem>>, vector<16xf32>,
    %swap3A_49 = vector.shape_cast %swap3A_48 : vector<16xf32> to vector<16xf32>
    %swap3A_50 = vector.shape_cast %broadcast_in_dim3A_46 : vector<16xf32> to vector<16xf32>
    tpu.vector_store %arg9[%swap3A_47], %swap3A_50 {strides = array<i32>} : memref<256xf32, #tpu.memory_space<vmem>>, vector<16xf32>,
    %broadcast_in_dim3A_51 = arith.constant 1.000000e+00 : f32
    %broadcast_in_dim3A_52 = vector.broadcast %broadcast_in_dim3A_51 : f32 to vector<16xf32>
    %swap3A_53 = arith.constant 64 : index
    %swap3A_54 = tpu.vector_load %arg8[%swap3A_53] {strides = array<i32>} : memref<256xf32, #tpu.memory_space<vmem>>, vector<16xf32>,
    %swap3A_55 = vector.shape_cast %swap3A_54 : vector<16xf32> to vector<16xf32>
    %swap3A_56 = vector.shape_cast %broadcast_in_dim3A_52 : vector<16xf32> to vector<16xf32>
    tpu.vector_store %arg8[%swap3A_53], %swap3A_56 {strides = array<i32>} : memref<256xf32, #tpu.memory_space<vmem>>, vector<16xf32>,
    %broadcast_in_dim3A_57 = arith.constant 0.000000e+00 : f32
    %broadcast_in_dim3A_58 = vector.broadcast %broadcast_in_dim3A_57 : f32 to vector<16xf32>
    %swap3A_59 = arith.constant 64 : index
    %swap3A_60 = tpu.vector_load %arg9[%swap3A_59] {strides = array<i32>} : memref<256xf32, #tpu.memory_space<vmem>>, vector<16xf32>,
    %swap3A_61 = vector.shape_cast %swap3A_60 : vector<16xf32> to vector<16xf32>
    %swap3A_62 = vector.shape_cast %broadcast_in_dim3A_58 : vector<16xf32> to vector<16xf32>
    tpu.vector_store %arg9[%swap3A_59], %swap3A_62 {strides = array<i32>} : memref<256xf32, #tpu.memory_space<vmem>>, vector<16xf32>,
    %broadcast_in_dim3A_63 = arith.constant 1.000000e+00 : f32
    %broadcast_in_dim3A_64 = vector.broadcast %broadcast_in_dim3A_63 : f32 to vector<16xf32>
    %swap3A_65 = arith.constant 80 : index
    %swap3A_66 = tpu.vector_load %arg8[%swap3A_65] {strides = array<i32>} : memref<256xf32, #tpu.memory_space<vmem>>, vector<16xf32>,
    %swap3A_67 = vector.shape_cast %swap3A_66 : vector<16xf32> to vector<16xf32>
    %swap3A_68 = vector.shape_cast %broadcast_in_dim3A_64 : vector<16xf32> to vector<16xf32>
    tpu.vector_store %arg8[%swap3A_65], %swap3A_68 {strides = array<i32>} : memref<256xf32, #tpu.memory_space<vmem>>, vector<16xf32>,
    %broadcast_in_dim3A_69 = arith.constant 0.000000e+00 : f32
    %broadcast_in_dim3A_70 = vector.broadcast %broadcast_in_dim3A_69 : f32 to vector<16xf32>
    %swap3A_71 = arith.constant 80 : index
    %swap3A_72 = tpu.vector_load %arg9[%swap3A_71] {strides = array<i32>} : memref<256xf32, #tpu.memory_space<vmem>>, vector<16xf32>,
    %swap3A_73 = vector.shape_cast %swap3A_72 : vector<16xf32> to vector<16xf32>
    %swap3A_74 = vector.shape_cast %broadcast_in_dim3A_70 : vector<16xf32> to vector<16xf32>
    tpu.vector_store %arg9[%swap3A_71], %swap3A_74 {strides = array<i32>} : memref<256xf32, #tpu.memory_space<vmem>>, vector<16xf32>,
    %broadcast_in_dim3A_75 = arith.constant 1.000000e+00 : f32
    %broadcast_in_dim3A_76 = vector.broadcast %broadcast_in_dim3A_75 : f32 to vector<16xf32>
    %swap3A_77 = arith.constant 96 : index
    %swap3A_78 = tpu.vector_load %arg8[%swap3A_77] {strides = array<i32>} : memref<256xf32, #tpu.memory_space<vmem>>, vector<16xf32>,
    %swap3A_79 = vector.shape_cast %swap3A_78 : vector<16xf32> to vector<16xf32>
    %swap3A_80 = vector.shape_cast %broadcast_in_dim3A_76 : vector<16xf32> to vector<16xf32>
    tpu.vector_store %arg8[%swap3A_77], %swap3A_80 {strides = array<i32>} : memref<256xf32, #tpu.memory_space<vmem>>, vector<16xf32>,
    %broadcast_in_dim3A_81 = arith.constant 0.000000e+00 : f32
    %broadcast_in_dim3A_82 = vector.broadcast %broadcast_in_dim3A_81 : f32 to vector<16xf32>
    %swap3A_83 = arith.constant 96 : index
    %swap3A_84 = tpu.vector_load %arg9[%swap3A_83] {strides = array<i32>} : memref<256xf32, #tpu.memory_space<vmem>>, vector<16xf32>,
    %swap3A_85 = vector.shape_cast %swap3A_84 : vector<16xf32> to vector<16xf32>
    %swap3A_86 = vector.shape_cast %broadcast_in_dim3A_82 : vector<16xf32> to vector<16xf32>
    tpu.vector_store %arg9[%swap3A_83], %swap3A_86 {strides = array<i32>} : memref<256xf32, #tpu.memory_space<vmem>>, vector<16xf32>,
    %broadcast_in_dim3A_87 = arith.constant 1.000000e+00 : f32
    %broadcast_in_dim3A_88 = vector.broadcast %broadcast_in_dim3A_87 : f32 to vector<16xf32>
    %swap3A_89 = arith.constant 112 : index
    %swap3A_90 = tpu.vector_load %arg8[%swap3A_89] {strides = array<i32>} : memref<256xf32, #tpu.memory_space<vmem>>, vector<16xf32>,
    %swap3A_91 = vector.shape_cast %swap3A_90 : vector<16xf32> to vector<16xf32>
    %swap3A_92 = vector.shape_cast %broadcast_in_dim3A_88 : vector<16xf32> to vector<16xf32>
    tpu.vector_store %arg8[%swap3A_89], %swap3A_92 {strides = array<i32>} : memref<256xf32, #tpu.memory_space<vmem>>, vector<16xf32>,
    %broadcast_in_dim3A_93 = arith.constant 0.000000e+00 : f32
    %broadcast_in_dim3A_94 = vector.broadcast %broadcast_in_dim3A_93 : f32 to vector<16xf32>
    %swap3A_95 = arith.constant 112 : index
    %swap3A_96 = tpu.vector_load %arg9[%swap3A_95] {strides = array<i32>} : memref<256xf32, #tpu.memory_space<vmem>>, vector<16xf32>,
    %swap3A_97 = vector.shape_cast %swap3A_96 : vector<16xf32> to vector<16xf32>
    %swap3A_98 = vector.shape_cast %broadcast_in_dim3A_94 : vector<16xf32> to vector<16xf32>
    tpu.vector_store %arg9[%swap3A_95], %swap3A_98 {strides = array<i32>} : memref<256xf32, #tpu.memory_space<vmem>>, vector<16xf32>,
    %broadcast_in_dim3A_99 = arith.constant 1.000000e+00 : f32
    %broadcast_in_dim3A_100 = vector.broadcast %broadcast_in_dim3A_99 : f32 to vector<16xf32>
    %swap3A_101 = arith.constant 128 : index
    %swap3A_102 = tpu.vector_load %arg8[%swap3A_101] {strides = array<i32>} : memref<256xf32, #tpu.memory_space<vmem>>, vector<16xf32>,
    %swap3A_103 = vector.shape_cast %swap3A_102 : vector<16xf32> to vector<16xf32>
    %swap3A_104 = vector.shape_cast %broadcast_in_dim3A_100 : vector<16xf32> to vector<16xf32>
    tpu.vector_store %arg8[%swap3A_101], %swap3A_104 {strides = array<i32>} : memref<256xf32, #tpu.memory_space<vmem>>, vector<16xf32>,
    %broadcast_in_dim3A_105 = arith.constant 0.000000e+00 : f32
    %broadcast_in_dim3A_106 = vector.broadcast %broadcast_in_dim3A_105 : f32 to vector<16xf32>
    %swap3A_107 = arith.constant 128 : index
    %swap3A_108 = tpu.vector_load %arg9[%swap3A_107] {strides = array<i32>} : memref<256xf32, #tpu.memory_space<vmem>>, vector<16xf32>,
    %swap3A_109 = vector.shape_cast %swap3A_108 : vector<16xf32> to vector<16xf32>
    %swap3A_110 = vector.shape_cast %broadcast_in_dim3A_106 : vector<16xf32> to vector<16xf32>
    tpu.vector_store %arg9[%swap3A_107], %swap3A_110 {strides = array<i32>} : memref<256xf32, #tpu.memory_space<vmem>>, vector<16xf32>,
    %broadcast_in_dim3A_111 = arith.constant 1.000000e+00 : f32
    %broadcast_in_dim3A_112 = vector.broadcast %broadcast_in_dim3A_111 : f32 to vector<16xf32>
    %swap3A_113 = arith.constant 144 : index
    %swap3A_114 = tpu.vector_load %arg8[%swap3A_113] {strides = array<i32>} : memref<256xf32, #tpu.memory_space<vmem>>, vector<16xf32>,
    %swap3A_115 = vector.shape_cast %swap3A_114 : vector<16xf32> to vector<16xf32>
    %swap3A_116 = vector.shape_cast %broadcast_in_dim3A_112 : vector<16xf32> to vector<16xf32>
    tpu.vector_store %arg8[%swap3A_113], %swap3A_116 {strides = array<i32>} : memref<256xf32, #tpu.memory_space<vmem>>, vector<16xf32>,
    %broadcast_in_dim3A_117 = arith.constant 0.000000e+00 : f32
    %broadcast_in_dim3A_118 = vector.broadcast %broadcast_in_dim3A_117 : f32 to vector<16xf32>
    %swap3A_119 = arith.constant 144 : index
    %swap3A_120 = tpu.vector_load %arg9[%swap3A_119] {strides = array<i32>} : memref<256xf32, #tpu.memory_space<vmem>>, vector<16xf32>,
    %swap3A_121 = vector.shape_cast %swap3A_120 : vector<16xf32> to vector<16xf32>
    %swap3A_122 = vector.shape_cast %broadcast_in_dim3A_118 : vector<16xf32> to vector<16xf32>
    tpu.vector_store %arg9[%swap3A_119], %swap3A_122 {strides = array<i32>} : memref<256xf32, #tpu.memory_space<vmem>>, vector<16xf32>,
    %broadcast_in_dim3A_123 = arith.constant 1.000000e+00 : f32
    %broadcast_in_dim3A_124 = vector.broadcast %broadcast_in_dim3A_123 : f32 to vector<16xf32>
    %swap3A_125 = arith.constant 160 : index
    %swap3A_126 = tpu.vector_load %arg8[%swap3A_125] {strides = array<i32>} : memref<256xf32, #tpu.memory_space<vmem>>, vector<16xf32>,
    %swap3A_127 = vector.shape_cast %swap3A_126 : vector<16xf32> to vector<16xf32>
    %swap3A_128 = vector.shape_cast %broadcast_in_dim3A_124 : vector<16xf32> to vector<16xf32>
    tpu.vector_store %arg8[%swap3A_125], %swap3A_128 {strides = array<i32>} : memref<256xf32, #tpu.memory_space<vmem>>, vector<16xf32>,
    %broadcast_in_dim3A_129 = arith.constant 0.000000e+00 : f32
    %broadcast_in_dim3A_130 = vector.broadcast %broadcast_in_dim3A_129 : f32 to vector<16xf32>
    %swap3A_131 = arith.constant 160 : index
    %swap3A_132 = tpu.vector_load %arg9[%swap3A_131] {strides = array<i32>} : memref<256xf32, #tpu.memory_space<vmem>>, vector<16xf32>,
    %swap3A_133 = vector.shape_cast %swap3A_132 : vector<16xf32> to vector<16xf32>
    %swap3A_134 = vector.shape_cast %broadcast_in_dim3A_130 : vector<16xf32> to vector<16xf32>
    tpu.vector_store %arg9[%swap3A_131], %swap3A_134 {strides = array<i32>} : memref<256xf32, #tpu.memory_space<vmem>>, vector<16xf32>,
    %broadcast_in_dim3A_135 = arith.constant 1.000000e+00 : f32
    %broadcast_in_dim3A_136 = vector.broadcast %broadcast_in_dim3A_135 : f32 to vector<16xf32>
    %swap3A_137 = arith.constant 176 : index
    %swap3A_138 = tpu.vector_load %arg8[%swap3A_137] {strides = array<i32>} : memref<256xf32, #tpu.memory_space<vmem>>, vector<16xf32>,
    %swap3A_139 = vector.shape_cast %swap3A_138 : vector<16xf32> to vector<16xf32>
    %swap3A_140 = vector.shape_cast %broadcast_in_dim3A_136 : vector<16xf32> to vector<16xf32>
    tpu.vector_store %arg8[%swap3A_137], %swap3A_140 {strides = array<i32>} : memref<256xf32, #tpu.memory_space<vmem>>, vector<16xf32>,
    %broadcast_in_dim3A_141 = arith.constant 0.000000e+00 : f32
    %broadcast_in_dim3A_142 = vector.broadcast %broadcast_in_dim3A_141 : f32 to vector<16xf32>
    %swap3A_143 = arith.constant 176 : index
    %swap3A_144 = tpu.vector_load %arg9[%swap3A_143] {strides = array<i32>} : memref<256xf32, #tpu.memory_space<vmem>>, vector<16xf32>,
    %swap3A_145 = vector.shape_cast %swap3A_144 : vector<16xf32> to vector<16xf32>
    %swap3A_146 = vector.shape_cast %broadcast_in_dim3A_142 : vector<16xf32> to vector<16xf32>
    tpu.vector_store %arg9[%swap3A_143], %swap3A_146 {strides = array<i32>} : memref<256xf32, #tpu.memory_space<vmem>>, vector<16xf32>,
    %broadcast_in_dim3A_147 = arith.constant 1.000000e+00 : f32
    %broadcast_in_dim3A_148 = vector.broadcast %broadcast_in_dim3A_147 : f32 to vector<16xf32>
    %swap3A_149 = arith.constant 192 : index
    %swap3A_150 = tpu.vector_load %arg8[%swap3A_149] {strides = array<i32>} : memref<256xf32, #tpu.memory_space<vmem>>, vector<16xf32>,
    %swap3A_151 = vector.shape_cast %swap3A_150 : vector<16xf32> to vector<16xf32>
    %swap3A_152 = vector.shape_cast %broadcast_in_dim3A_148 : vector<16xf32> to vector<16xf32>
    tpu.vector_store %arg8[%swap3A_149], %swap3A_152 {strides = array<i32>} : memref<256xf32, #tpu.memory_space<vmem>>, vector<16xf32>,
    %broadcast_in_dim3A_153 = arith.constant 0.000000e+00 : f32
    %broadcast_in_dim3A_154 = vector.broadcast %broadcast_in_dim3A_153 : f32 to vector<16xf32>
    %swap3A_155 = arith.constant 192 : index
    %swap3A_156 = tpu.vector_load %arg9[%swap3A_155] {strides = array<i32>} : memref<256xf32, #tpu.memory_space<vmem>>, vector<16xf32>,
    %swap3A_157 = vector.shape_cast %swap3A_156 : vector<16xf32> to vector<16xf32>
    %swap3A_158 = vector.shape_cast %broadcast_in_dim3A_154 : vector<16xf32> to vector<16xf32>
    tpu.vector_store %arg9[%swap3A_155], %swap3A_158 {strides = array<i32>} : memref<256xf32, #tpu.memory_space<vmem>>, vector<16xf32>,
    %broadcast_in_dim3A_159 = arith.constant 1.000000e+00 : f32
    %broadcast_in_dim3A_160 = vector.broadcast %broadcast_in_dim3A_159 : f32 to vector<16xf32>
    %swap3A_161 = arith.constant 208 : index
    %swap3A_162 = tpu.vector_load %arg8[%swap3A_161] {strides = array<i32>} : memref<256xf32, #tpu.memory_space<vmem>>, vector<16xf32>,
    %swap3A_163 = vector.shape_cast %swap3A_162 : vector<16xf32> to vector<16xf32>
    %swap3A_164 = vector.shape_cast %broadcast_in_dim3A_160 : vector<16xf32> to vector<16xf32>
    tpu.vector_store %arg8[%swap3A_161], %swap3A_164 {strides = array<i32>} : memref<256xf32, #tpu.memory_space<vmem>>, vector<16xf32>,
    %broadcast_in_dim3A_165 = arith.constant 0.000000e+00 : f32
    %broadcast_in_dim3A_166 = vector.broadcast %broadcast_in_dim3A_165 : f32 to vector<16xf32>
    %swap3A_167 = arith.constant 208 : index
    %swap3A_168 = tpu.vector_load %arg9[%swap3A_167] {strides = array<i32>} : memref<256xf32, #tpu.memory_space<vmem>>, vector<16xf32>,
    %swap3A_169 = vector.shape_cast %swap3A_168 : vector<16xf32> to vector<16xf32>
    %swap3A_170 = vector.shape_cast %broadcast_in_dim3A_166 : vector<16xf32> to vector<16xf32>
    tpu.vector_store %arg9[%swap3A_167], %swap3A_170 {strides = array<i32>} : memref<256xf32, #tpu.memory_space<vmem>>, vector<16xf32>,
    %broadcast_in_dim3A_171 = arith.constant 1.000000e+00 : f32
    %broadcast_in_dim3A_172 = vector.broadcast %broadcast_in_dim3A_171 : f32 to vector<16xf32>
    %swap3A_173 = arith.constant 224 : index
    %swap3A_174 = tpu.vector_load %arg8[%swap3A_173] {strides = array<i32>} : memref<256xf32, #tpu.memory_space<vmem>>, vector<16xf32>,
    %swap3A_175 = vector.shape_cast %swap3A_174 : vector<16xf32> to vector<16xf32>
    %swap3A_176 = vector.shape_cast %broadcast_in_dim3A_172 : vector<16xf32> to vector<16xf32>
    tpu.vector_store %arg8[%swap3A_173], %swap3A_176 {strides = array<i32>} : memref<256xf32, #tpu.memory_space<vmem>>, vector<16xf32>,
    %broadcast_in_dim3A_177 = arith.constant 0.000000e+00 : f32
    %broadcast_in_dim3A_178 = vector.broadcast %broadcast_in_dim3A_177 : f32 to vector<16xf32>
    %swap3A_179 = arith.constant 224 : index
    %swap3A_180 = tpu.vector_load %arg9[%swap3A_179] {strides = array<i32>} : memref<256xf32, #tpu.memory_space<vmem>>, vector<16xf32>,
    %swap3A_181 = vector.shape_cast %swap3A_180 : vector<16xf32> to vector<16xf32>
    %swap3A_182 = vector.shape_cast %broadcast_in_dim3A_178 : vector<16xf32> to vector<16xf32>
    tpu.vector_store %arg9[%swap3A_179], %swap3A_182 {strides = array<i32>} : memref<256xf32, #tpu.memory_space<vmem>>, vector<16xf32>,
    %broadcast_in_dim3A_183 = arith.constant 1.000000e+00 : f32
    %broadcast_in_dim3A_184 = vector.broadcast %broadcast_in_dim3A_183 : f32 to vector<16xf32>
    %swap3A_185 = arith.constant 240 : index
    %swap3A_186 = tpu.vector_load %arg8[%swap3A_185] {strides = array<i32>} : memref<256xf32, #tpu.memory_space<vmem>>, vector<16xf32>,
    %swap3A_187 = vector.shape_cast %swap3A_186 : vector<16xf32> to vector<16xf32>
    %swap3A_188 = vector.shape_cast %broadcast_in_dim3A_184 : vector<16xf32> to vector<16xf32>
    tpu.vector_store %arg8[%swap3A_185], %swap3A_188 {strides = array<i32>} : memref<256xf32, #tpu.memory_space<vmem>>, vector<16xf32>,
    %broadcast_in_dim3A_189 = arith.constant 0.000000e+00 : f32
    %broadcast_in_dim3A_190 = vector.broadcast %broadcast_in_dim3A_189 : f32 to vector<16xf32>
    %swap3A_191 = arith.constant 240 : index
    %swap3A_192 = tpu.vector_load %arg9[%swap3A_191] {strides = array<i32>} : memref<256xf32, #tpu.memory_space<vmem>>, vector<16xf32>,
    %swap3A_193 = vector.shape_cast %swap3A_192 : vector<16xf32> to vector<16xf32>
    %swap3A_194 = vector.shape_cast %broadcast_in_dim3A_190 : vector<16xf32> to vector<16xf32>
    tpu.vector_store %arg9[%swap3A_191], %swap3A_194 {strides = array<i32>} : memref<256xf32, #tpu.memory_space<vmem>>, vector<16xf32>,
    %mul3A_195 = arith.constant 512 : i32
    %mul3A_196 = arith.muli %arg1, %mul3A_195 : i32
    "tpu.region"() ({
      %run_scoped3A = tpu.sem_alloc : memref<!tpu.dma_semaphore, #tpu.memory_space<semaphore_mem>>
      %dma_start3A_208 = tpu.memref_slice %arg10[%mul3A_196] : memref<8192xf32, #tpu.memory_space<vmem_shared>> -> memref<256xf32, #tpu.memory_space<vmem_shared>>
      %dma_start3A_209 = tpu.memref_slice %arg10[%mul3A_196] : memref<8192xf32, #tpu.memory_space<vmem_shared>> -> memref<256xf32, #tpu.memory_space<vmem_shared>>
      tpu.enqueue_dma source(%arg9 : memref<256xf32, #tpu.memory_space<vmem>>) target(%dma_start3A_209 : memref<256xf32, #tpu.memory_space<vmem_shared>>) target_semaphore(%run_scoped3A : memref<!tpu.dma_semaphore, #tpu.memory_space<semaphore_mem>>)
      %dma_wait3A_210 = tpu.memref_slice %arg10[%mul3A_196] : memref<8192xf32, #tpu.memory_space<vmem_shared>> -> memref<256xf32, #tpu.memory_space<vmem_shared>>
      %dma_wait3A_211 = tpu.memref_slice %arg10[%mul3A_196] : memref<8192xf32, #tpu.memory_space<vmem_shared>> -> memref<256xf32, #tpu.memory_space<vmem_shared>>
      tpu.wait_dma2 semaphore(%run_scoped3A : memref<!tpu.dma_semaphore, #tpu.memory_space<semaphore_mem>>) src(%arg9 : memref<256xf32, #tpu.memory_space<vmem>>) dst(%dma_wait3A_211 : memref<256xf32, #tpu.memory_space<vmem_shared>>)
      tpu.yield
    }) : () -> ()
    %mul3A_197 = arith.constant 512 : i32
    %mul3A_198 = arith.muli %arg1, %mul3A_197 : i32
    %add3A_199 = arith.constant 256 : i32
    %add3A_200 = arith.addi %mul3A_198, %add3A_199 : i32
    "tpu.region"() ({
      %run_scoped3A = tpu.sem_alloc : memref<!tpu.dma_semaphore, #tpu.memory_space<semaphore_mem>>
      %dma_start3A_208 = tpu.memref_slice %arg10[%add3A_200] : memref<8192xf32, #tpu.memory_space<vmem_shared>> -> memref<256xf32, #tpu.memory_space<vmem_shared>>
      %dma_start3A_209 = tpu.memref_slice %arg10[%add3A_200] : memref<8192xf32, #tpu.memory_space<vmem_shared>> -> memref<256xf32, #tpu.memory_space<vmem_shared>>
      tpu.enqueue_dma source(%arg9 : memref<256xf32, #tpu.memory_space<vmem>>) target(%dma_start3A_209 : memref<256xf32, #tpu.memory_space<vmem_shared>>) target_semaphore(%run_scoped3A : memref<!tpu.dma_semaphore, #tpu.memory_space<semaphore_mem>>)
      %dma_wait3A_210 = tpu.memref_slice %arg10[%add3A_200] : memref<8192xf32, #tpu.memory_space<vmem_shared>> -> memref<256xf32, #tpu.memory_space<vmem_shared>>
      %dma_wait3A_211 = tpu.memref_slice %arg10[%add3A_200] : memref<8192xf32, #tpu.memory_space<vmem_shared>> -> memref<256xf32, #tpu.memory_space<vmem_shared>>
      tpu.wait_dma2 semaphore(%run_scoped3A : memref<!tpu.dma_semaphore, #tpu.memory_space<semaphore_mem>>) src(%arg9 : memref<256xf32, #tpu.memory_space<vmem>>) dst(%dma_wait3A_211 : memref<256xf32, #tpu.memory_space<vmem_shared>>)
      tpu.yield
    }) : () -> ()
    %barrier3A = arith.constant 0 : index
    tpu.barrier barrier_id(%barrier3A)
    "tpu.region"() ({
      %run_scoped3A = tpu.sem_alloc : memref<!tpu.dma_semaphore, #tpu.memory_space<semaphore_mem>>
      %dma_start3A_208 = arith.constant 0 : i32
      %dma_start3A_209 = tpu.memref_slice %arg10[%dma_start3A_208] : memref<8192xf32, #tpu.memory_space<vmem_shared>> -> memref<8192xf32, #tpu.memory_space<vmem_shared>>
      tpu.enqueue_indirect_dma source(%arg8 : memref<256xf32, #tpu.memory_space<vmem>>) target(%dma_start3A_209 : memref<8192xf32, #tpu.memory_space<vmem_shared>>) offsets(%arg6 : memref<256xi32, #tpu.memory_space<vmem>>) semaphore(%run_scoped3A : memref<!tpu.dma_semaphore, #tpu.memory_space<semaphore_mem>>) {add = true}
      %dma_wait3A_210 = arith.constant 0 : i32
      %dma_wait3A_211 = tpu.memref_slice %arg10[%dma_wait3A_210] : memref<8192xf32, #tpu.memory_space<vmem_shared>> -> memref<8192xf32, #tpu.memory_space<vmem_shared>>
      tpu.wait_indirect_dma semaphore(%run_scoped3A : memref<!tpu.dma_semaphore, #tpu.memory_space<semaphore_mem>>) src(%arg8 : memref<256xf32, #tpu.memory_space<vmem>>) dst(%dma_wait3A_211 : memref<8192xf32, #tpu.memory_space<vmem_shared>>)
      tpu.yield
    }) : () -> ()
    %dma_wait3A = arith.constant 0 : i32
    %dma_wait3A_201 = arith.constant 0 : i32
    %dma_wait3A_202 = tpu.memref_slice %arg2[%dma_wait3A, %dma_wait3A_201] : memref<8192x128xf32, #tpu.memory_space<hbm>> -> memref<8192x128xf32, #tpu.memory_space<hbm>>
    tpu.wait_indirect_dma semaphore(%arg11 : memref<!tpu.dma_semaphore, #tpu.memory_space<semaphore_mem>>) src(%dma_wait3A_202 : memref<8192x128xf32, #tpu.memory_space<hbm>>) dst(%arg7 : memref<256x128xf32, #tpu.memory_space<vmem>>)
    "tpu.region"() ({
      %run_scoped3A = tpu.sem_alloc : memref<!tpu.dma_semaphore, #tpu.memory_space<semaphore_mem>>
      %dma_start3A_208 = arith.constant 0 : i32
      %dma_start3A_209 = tpu.memref_slice %arg4[%mul3A_2, %dma_start3A_208] : memref<8192x128xf32, #tpu.memory_space<hbm>> -> memref<256x128xf32, #tpu.memory_space<hbm>>
      %dma_start3A_210 = arith.constant 0 : i32
      %dma_start3A_211 = tpu.memref_slice %arg4[%mul3A_2, %dma_start3A_210] : memref<8192x128xf32, #tpu.memory_space<hbm>> -> memref<256x128xf32, #tpu.memory_space<hbm>>
      tpu.enqueue_dma source(%arg7 : memref<256x128xf32, #tpu.memory_space<vmem>>) target(%dma_start3A_211 : memref<256x128xf32, #tpu.memory_space<hbm>>) target_semaphore(%run_scoped3A : memref<!tpu.dma_semaphore, #tpu.memory_space<semaphore_mem>>)
      %dma_wait3A_212 = arith.constant 0 : i32
      %dma_wait3A_213 = tpu.memref_slice %arg4[%mul3A_2, %dma_wait3A_212] : memref<8192x128xf32, #tpu.memory_space<hbm>> -> memref<256x128xf32, #tpu.memory_space<hbm>>
      %dma_wait3A_214 = arith.constant 0 : i32
      %dma_wait3A_215 = tpu.memref_slice %arg4[%mul3A_2, %dma_wait3A_214] : memref<8192x128xf32, #tpu.memory_space<hbm>> -> memref<256x128xf32, #tpu.memory_space<hbm>>
      tpu.wait_dma2 semaphore(%run_scoped3A : memref<!tpu.dma_semaphore, #tpu.memory_space<semaphore_mem>>) src(%arg7 : memref<256x128xf32, #tpu.memory_space<vmem>>) dst(%dma_wait3A_215 : memref<256x128xf32, #tpu.memory_space<hbm>>)
      tpu.yield
    }) : () -> ()
    %barrier3A_203 = arith.constant 0 : index
    tpu.barrier barrier_id(%barrier3A_203)
    %mul3A_204 = arith.constant 512 : i32
    %mul3A_205 = arith.muli %arg1, %mul3A_204 : i32
    %mul3A_206 = arith.constant 512 : i32
    %mul3A_207 = arith.muli %arg1, %mul3A_206 : i32
    "tpu.region"() ({
      %run_scoped3A = tpu.sem_alloc : memref<!tpu.dma_semaphore, #tpu.memory_space<semaphore_mem>>
      %dma_start3A_208 = tpu.memref_slice %arg5[%arg0, %mul3A_207] : memref<2x8192xf32, #tpu.memory_space<hbm>> -> memref<1x512xf32, #tpu.memory_space<hbm>>
      %dma_start3A_209 = tpu.memref_squeeze %dma_start3A_208 : memref<1x512xf32, #tpu.memory_space<hbm>> -> memref<512xf32, #tpu.memory_space<hbm>>
      %dma_start3A_210 = tpu.memref_slice %arg10[%mul3A_205] : memref<8192xf32, #tpu.memory_space<vmem_shared>> -> memref<512xf32, #tpu.memory_space<vmem_shared>>
      tpu.enqueue_dma source(%dma_start3A_210 : memref<512xf32, #tpu.memory_space<vmem_shared>>) target(%dma_start3A_209 : memref<512xf32, #tpu.memory_space<hbm>>) target_semaphore(%run_scoped3A : memref<!tpu.dma_semaphore, #tpu.memory_space<semaphore_mem>>)
      %dma_wait3A_211 = tpu.memref_slice %arg5[%arg0, %mul3A_207] : memref<2x8192xf32, #tpu.memory_space<hbm>> -> memref<1x512xf32, #tpu.memory_space<hbm>>
      %dma_wait3A_212 = tpu.memref_squeeze %dma_wait3A_211 : memref<1x512xf32, #tpu.memory_space<hbm>> -> memref<512xf32, #tpu.memory_space<hbm>>
      %dma_wait3A_213 = tpu.memref_slice %arg10[%mul3A_205] : memref<8192xf32, #tpu.memory_space<vmem_shared>> -> memref<512xf32, #tpu.memory_space<vmem_shared>>
      tpu.wait_dma2 semaphore(%run_scoped3A : memref<!tpu.dma_semaphore, #tpu.memory_space<semaphore_mem>>) src(%dma_wait3A_213 : memref<512xf32, #tpu.memory_space<vmem_shared>>) dst(%dma_wait3A_212 : memref<512xf32, #tpu.memory_space<hbm>>)
      tpu.yield
    }) : () -> ()
    return
  }
}

module attributes {stable_mosaic.version = 14 : i64} {
  func.func @_top2_body(%arg0: i32, %arg1: memref<512x32xbf16, #tpu.memory_space<vmem>>, %arg2: memref<32x8192xbf16, #tpu.memory_space<vmem>>, %arg3: memref<1x1x512xi32, #tpu.memory_space<vmem>>, %arg4: memref<1x1x512xf32, #tpu.memory_space<vmem>>, %arg5: memref<512x128xf32, #tpu.memory_space<vmem>>) attributes {dimension_semantics = [#tpu.dimension_semantics<arbitrary>], iteration_bounds = array<i64: 16>, scalar_prefetch = 0 : i64, scratch_operands = 0 : i64, tpu.core_type = #tpu.core_type<tc>, window_params = [{transform_indices = @transform_0, window_bounds = array<i64: 512, 32>}, {pipeline_mode = #tpu.pipeline_mode<synchronous>, transform_indices = @transform_1, window_bounds = array<i64: 32, 8192>}, {transform_indices = @transform_2, window_bounds = array<i64: 1, 1, 512>}, {transform_indices = @transform_3, window_bounds = array<i64: 1, 1, 512>}, {transform_indices = @transform_4, window_bounds = array<i64: 512, 128>}]} {
    %get3A = arith.constant 0 : index
    %get3A_0 = arith.constant 0 : index
    %get3A_1 = vector.load %arg1[%get3A, %get3A_0] : memref<512x32xbf16, #tpu.memory_space<vmem>>, vector<512x32xbf16>
    %get3A_2 = arith.constant 0 : index
    %get3A_3 = arith.constant 0 : index
    %get3A_4 = vector.load %arg2[%get3A_2, %get3A_3] : memref<32x8192xbf16, #tpu.memory_space<vmem>>, vector<32x8192xbf16>
    %dot_general3A = arith.constant dense<0.000000e+00> : vector<512x8192xf32>
    %dot_general3A_5 = tpu.matmul %get3A_1, %get3A_4, %dot_general3A {dimension_numbers = #tpu.dot_dimension_numbers<[1], [0], [0], [1], [0, 0, 1, 1], [], []>, transpose_lhs_hint = false} : vector<512x32xbf16>, vector<32x8192xbf16>, vector<512x8192xf32> -> vector<512x8192xf32>
    %reduce_max3A = arith.constant dense<0xFF800000> : vector<512xf32>
    %reduce_max3A_6 = vector.multi_reduction <maximumf>, %dot_general3A_5, %reduce_max3A [1] : vector<512x8192xf32> to vector<512xf32>
    %argmax3A = tpu.reduce_index %dot_general3A_5 {axis = 1 : i32, kind = #tpu.reduction_kind<arg_max>} : vector<512x8192xf32> -> vector<512xi32>
    %broadcast_in_dim3A = vector.shape_cast %reduce_max3A_6 : vector<512xf32> to vector<512x1xf32>
    %lt3A = vector.broadcast %broadcast_in_dim3A : vector<512x1xf32> to vector<512x8192xf32>
    %lt3A_7 = arith.cmpf olt, %dot_general3A_5, %lt3A : vector<512x8192xf32>
    %jit3A = arith.constant 0xFF800000 : f32
    %broadcast_in_dim3A_8 = vector.broadcast %jit3A : f32 to vector<512x8192xf32>
    %select_n3A = arith.select %lt3A_7, %dot_general3A_5, %broadcast_in_dim3A_8 : vector<512x8192xi1>, vector<512x8192xf32>
    %reduce_max3A_9 = arith.constant dense<0xFF800000> : vector<512xf32>
    %reduce_max3A_10 = vector.multi_reduction <maximumf>, %select_n3A, %reduce_max3A_9 [1] : vector<512x8192xf32> to vector<512xf32>
    %swap3A = arith.constant 0 : index
    %swap3A_11 = arith.constant 0 : index
    %swap3A_12 = arith.constant 0 : index
    %swap3A_13 = vector.load %arg3[%swap3A, %swap3A_11, %swap3A_12] : memref<1x1x512xi32, #tpu.memory_space<vmem>>, vector<1x1x512xi32>
    %swap3A_14 = vector.shape_cast %swap3A_13 : vector<1x1x512xi32> to vector<512xi32>
    %swap3A_15 = vector.shape_cast %argmax3A : vector<512xi32> to vector<1x1x512xi32>
    tpu.vector_store %arg3[%swap3A, %swap3A_11, %swap3A_12], %swap3A_15 {strides = array<i32>} : memref<1x1x512xi32, #tpu.memory_space<vmem>>, vector<1x1x512xi32>,
    %sub3A = arith.subf %reduce_max3A_6, %reduce_max3A_10 : vector<512xf32>
    %swap3A_16 = arith.constant 0 : index
    %swap3A_17 = arith.constant 0 : index
    %swap3A_18 = arith.constant 0 : index
    %swap3A_19 = vector.load %arg4[%swap3A_16, %swap3A_17, %swap3A_18] : memref<1x1x512xf32, #tpu.memory_space<vmem>>, vector<1x1x512xf32>
    %swap3A_20 = vector.shape_cast %swap3A_19 : vector<1x1x512xf32> to vector<512xf32>
    %swap3A_21 = vector.shape_cast %sub3A : vector<512xf32> to vector<1x1x512xf32>
    tpu.vector_store %arg4[%swap3A_16, %swap3A_17, %swap3A_18], %swap3A_21 {strides = array<i32>} : memref<1x1x512xf32, #tpu.memory_space<vmem>>, vector<1x1x512xf32>,
    %mul3A = arith.constant 512 : i32
    %mul3A_22 = arith.muli %arg0, %mul3A : i32
    %get3A_23 = arith.constant 0 : index
    %get3A_24 = arith.index_cast %mul3A_22 : i32 to index
    %get3A_25 = vector.load %arg2[%get3A_23, %get3A_24] : memref<32x8192xbf16, #tpu.memory_space<vmem>>, vector<32x512xbf16>
    %transpose3A = tpu.transpose %get3A_25, [1, 0] : vector<32x512xbf16> -> vector<512x32xbf16>
    %convert_element_type3A = arith.extf %transpose3A : vector<512x32xbf16> to vector<512x32xf32>
    %broadcast_in_dim3A_26 = arith.constant 0.000000e+00 : f32
    %broadcast_in_dim3A_27 = vector.broadcast %broadcast_in_dim3A_26 : f32 to vector<512x96xf32>
    %concatenate3A = tpu.concatenate %convert_element_type3A, %broadcast_in_dim3A_27 in 1 : vector<512x32xf32>, vector<512x96xf32> -> vector<512x128xf32>
    %swap3A_28 = arith.constant 0 : index
    %swap3A_29 = arith.constant 0 : index
    %swap3A_30 = vector.load %arg5[%swap3A_28, %swap3A_29] : memref<512x128xf32, #tpu.memory_space<vmem>>, vector<512x128xf32>
    tpu.vector_store %arg5[%swap3A_28, %swap3A_29], %concatenate3A {strides = array<i32>} : memref<512x128xf32, #tpu.memory_space<vmem>>, vector<512x128xf32>,
    return
  }
  func.func @transform_0(%arg0: i32) -> (i32, i32) {
    %c0_i32 = arith.constant 0 : i32
    %c0_i32_0 = arith.constant 0 : i32
    return %arg0, %c0_i32 : i32, i32
  }
  func.func @transform_1(%arg0: i32) -> (i32, i32) {
    %c0_i32 = arith.constant 0 : i32
    %c0_i32_0 = arith.constant 0 : i32
    %c0_i32_1 = arith.constant 0 : i32
    return %c0_i32, %c0_i32_0 : i32, i32
  }
  func.func @transform_2(%arg0: i32) -> (i32, i32, i32) {
    %c0_i32 = arith.constant 0 : i32
    %c0_i32_0 = arith.constant 0 : i32
    %c0_i32_1 = arith.constant 0 : i32
    return %arg0, %c0_i32, %c0_i32_0 : i32, i32, i32
  }
  func.func @transform_3(%arg0: i32) -> (i32, i32, i32) {
    %c0_i32 = arith.constant 0 : i32
    %c0_i32_0 = arith.constant 0 : i32
    %c0_i32_1 = arith.constant 0 : i32
    return %arg0, %c0_i32, %c0_i32_0 : i32, i32, i32
  }
  func.func @transform_4(%arg0: i32) -> (i32, i32) {
    %c0_i32 = arith.constant 0 : i32
    %c0_i32_0 = arith.constant 0 : i32
    return %arg0, %c0_i32 : i32, i32
  }
}

module attributes {stable_mosaic.version = 14 : i64} {
  func.func @_stats_body(%arg0: i32, %arg1: memref<1x32x1024xf32, #tpu.memory_space<vmem>>, %arg2: memref<1024x128xf32, #tpu.memory_space<vmem>>, %arg3: memref<2x8192xf32, #tpu.memory_space<vmem>>, %arg4: memref<1x32x1024xf32, #tpu.memory_space<vmem>>, %arg5: memref<1x1xf32, #tpu.memory_space<vmem>>, %arg6: memref<1x1xf32, #tpu.memory_space<vmem>>, %arg7: memref<1x1xf32, #tpu.memory_space<vmem>>, %arg8: memref<1xf32, #tpu.memory_space<smem>>) attributes {dimension_semantics = [#tpu.dimension_semantics<arbitrary>], iteration_bounds = array<i64: 8>, scalar_prefetch = 0 : i64, scratch_operands = 1 : i64, tpu.core_type = #tpu.core_type<tc>, window_params = [{transform_indices = @transform_0, window_bounds = array<i64: 1, 32, 1024>}, {transform_indices = @transform_1, window_bounds = array<i64: 1024, 128>}, {pipeline_mode = #tpu.pipeline_mode<synchronous>, transform_indices = @transform_2, window_bounds = array<i64: 2, 8192>}, {transform_indices = @transform_3, window_bounds = array<i64: 1, 32, 1024>}, {pipeline_mode = #tpu.pipeline_mode<synchronous>, transform_indices = @transform_4, window_bounds = array<i64: 1, 1>}, {pipeline_mode = #tpu.pipeline_mode<synchronous>, transform_indices = @transform_5, window_bounds = array<i64: 1, 1>}, {pipeline_mode = #tpu.pipeline_mode<synchronous>, transform_indices = @transform_6, window_bounds = array<i64: 1, 1>}]} {
    %get3A = arith.constant 0 : index
    %get3A_0 = arith.constant 0 : index
    %get3A_1 = vector.load %arg2[%get3A, %get3A_0] : memref<1024x128xf32, #tpu.memory_space<vmem>>, vector<1024x32xf32>
    %transpose3A = tpu.transpose %get3A_1, [1, 0] : vector<1024x32xf32> -> vector<32x1024xf32>
    %swap3A = arith.constant 0 : index
    %swap3A_2 = arith.constant 0 : index
    %swap3A_3 = arith.constant 0 : index
    %swap3A_4 = vector.load %arg4[%swap3A, %swap3A_2, %swap3A_3] : memref<1x32x1024xf32, #tpu.memory_space<vmem>>, vector<1x32x1024xf32>
    %swap3A_5 = vector.shape_cast %swap3A_4 : vector<1x32x1024xf32> to vector<32x1024xf32>
    %swap3A_6 = vector.shape_cast %transpose3A : vector<32x1024xf32> to vector<1x32x1024xf32>
    tpu.vector_store %arg4[%swap3A, %swap3A_2, %swap3A_3], %swap3A_6 {strides = array<i32>} : memref<1x32x1024xf32, #tpu.memory_space<vmem>>, vector<1x32x1024xf32>,
    %get3A_7 = arith.constant 0 : index
    %get3A_8 = arith.constant 0 : index
    %get3A_9 = arith.constant 0 : index
    %get3A_10 = vector.load %arg1[%get3A_7, %get3A_8, %get3A_9] : memref<1x32x1024xf32, #tpu.memory_space<vmem>>, vector<1x32x1024xf32>
    %get3A_11 = vector.shape_cast %get3A_10 : vector<1x32x1024xf32> to vector<32x1024xf32>
    %sub3A = arith.subf %get3A_11, %transpose3A : vector<32x1024xf32>
    %mul3A = arith.mulf %sub3A, %sub3A : vector<32x1024xf32>
    %reduce_sum3A = vector.shape_cast %mul3A : vector<32x1024xf32> to vector<1x32x1024xf32>
    %reduce_sum3A_12 = arith.constant dense<0.000000e+00> : vector<1xf32>
    %reduce_sum3A_13 = vector.multi_reduction <add>, %reduce_sum3A, %reduce_sum3A_12 [1, 2] : vector<1x32x1024xf32> to vector<1xf32>
    %reduce_sum3A_14 = vector.shape_cast %reduce_sum3A_13 : vector<1xf32> to vector<1x1x1xf32>
    %reduce_sum3A_15 = vector.extract %reduce_sum3A_14[0, 0, 0] : f32 from vector<1x1x1xf32>
    %eq3A = arith.constant 0 : i32
    %eq3A_16 = arith.cmpi eq, %arg0, %eq3A : i32
    %convert_element_type3A = arith.extui %eq3A_16 : i1 to i32
    %cond3A = arith.constant 0 : i32
    %cond3A_17 = arith.cmpi ne, %convert_element_type3A, %cond3A : i32
    scf.if %cond3A_17 {
      %swap3A_27 = arith.constant 0.000000e+00 : f32
      %swap3A_28 = arith.constant 0 : index
      %swap3A_29 = memref.load %arg8[%swap3A_28] : memref<1xf32, #tpu.memory_space<smem>>
      memref.store %swap3A_27, %arg8[%swap3A_28] : memref<1xf32, #tpu.memory_space<smem>>
    } else {
    }
    %get3A_18 = arith.constant 0 : index
    %get3A_19 = memref.load %arg8[%get3A_18] : memref<1xf32, #tpu.memory_space<smem>>
    %add3A = arith.addf %get3A_19, %reduce_sum3A_15 : f32
    %swap3A_20 = arith.constant 0 : index
    %swap3A_21 = memref.load %arg8[%swap3A_20] : memref<1xf32, #tpu.memory_space<smem>>
    memref.store %add3A, %arg8[%swap3A_20] : memref<1xf32, #tpu.memory_space<smem>>
    %eq3A_22 = arith.constant 7 : i32
    %eq3A_23 = arith.cmpi eq, %arg0, %eq3A_22 : i32
    %convert_element_type3A_24 = arith.extui %eq3A_23 : i1 to i32
    %cond3A_25 = arith.constant 0 : i32
    %cond3A_26 = arith.cmpi ne, %convert_element_type3A_24, %cond3A_25 : i32
    scf.if %cond3A_26 {
      %get3A_27 = arith.constant 0 : index
      %get3A_28 = arith.constant 0 : index
      %get3A_29 = vector.load %arg3[%get3A_27, %get3A_28] : memref<2x8192xf32, #tpu.memory_space<vmem>>, vector<2x8192xf32>
      %slice3A = vector.extract_strided_slice %get3A_29 {offsets = [0, 0], sizes = [1, 8192], strides = [1, 1]} : vector<2x8192xf32> to vector<1x8192xf32>
      %slice3A_30 = vector.extract_strided_slice %get3A_29 {offsets = [1, 0], sizes = [1, 8192], strides = [1, 1]} : vector<2x8192xf32> to vector<1x8192xf32>
      %add3A_31 = arith.addf %slice3A, %slice3A_30 : vector<1x8192xf32>
      %mul3A_32 = arith.constant 1.22070313E-4 : f32
      %mul3A_33 = vector.broadcast %mul3A_32 : f32 to vector<1x8192xf32>
      %mul3A_34 = arith.mulf %add3A_31, %mul3A_33 : vector<1x8192xf32>
      %jit3A = arith.constant 1.000000e-10 : f32
      %max3A = vector.broadcast %jit3A : f32 to vector<1x8192xf32>
      %max3A_35 = arith.maximumf %max3A, %mul3A_34 : vector<1x8192xf32>
      %log3A = math.log %max3A_35 : vector<1x8192xf32>
      %mul3A_36 = arith.mulf %mul3A_34, %log3A : vector<1x8192xf32>
      %reduce_sum3A_37 = vector.shape_cast %mul3A_36 : vector<1x8192xf32> to vector<1x1x8192xf32>
      %reduce_sum3A_38 = arith.constant dense<0.000000e+00> : vector<1xf32>
      %reduce_sum3A_39 = vector.multi_reduction <add>, %reduce_sum3A_37, %reduce_sum3A_38 [1, 2] : vector<1x1x8192xf32> to vector<1xf32>
      %reduce_sum3A_40 = vector.shape_cast %reduce_sum3A_39 : vector<1xf32> to vector<1x1x1xf32>
      %reduce_sum3A_41 = vector.extract %reduce_sum3A_40[0, 0, 0] : f32 from vector<1x1x1xf32>
      %neg3A = arith.constant 0.000000e+00 : f32
      %neg3A_42 = arith.subf %neg3A, %reduce_sum3A_41 : f32
      %get3A_43 = arith.constant 0 : index
      %get3A_44 = memref.load %arg8[%get3A_43] : memref<1xf32, #tpu.memory_space<smem>>
      %div3A = arith.constant 2.621440e+05 : f32
      %div3A_45 = arith.divf %get3A_44, %div3A : f32
      %exp3A = math.exp %neg3A_42 : f32
      %reshape3A = vector.broadcast %exp3A : f32 to vector<1x1xf32>
      %swap3A_46 = arith.constant 0 : index
      %swap3A_47 = arith.constant 0 : index
      %swap3A_48 = vector.load %arg5[%swap3A_46, %swap3A_47] : memref<1x1xf32, #tpu.memory_space<vmem>>, vector<1x1xf32>
      tpu.vector_store %arg5[%swap3A_46, %swap3A_47], %reshape3A {strides = array<i32>} : memref<1x1xf32, #tpu.memory_space<vmem>>, vector<1x1xf32>,
      %mul3A_49 = arith.constant 2.000000e+00 : f32
      %mul3A_50 = arith.mulf %mul3A_49, %div3A_45 : f32
      %reshape3A_51 = vector.broadcast %mul3A_50 : f32 to vector<1x1xf32>
      %swap3A_52 = arith.constant 0 : index
      %swap3A_53 = arith.constant 0 : index
      %swap3A_54 = vector.load %arg6[%swap3A_52, %swap3A_53] : memref<1x1xf32, #tpu.memory_space<vmem>>, vector<1x1xf32>
      tpu.vector_store %arg6[%swap3A_52, %swap3A_53], %reshape3A_51 {strides = array<i32>} : memref<1x1xf32, #tpu.memory_space<vmem>>, vector<1x1xf32>,
      %reshape3A_55 = vector.broadcast %div3A_45 : f32 to vector<1x1xf32>
      %swap3A_56 = arith.constant 0 : index
      %swap3A_57 = arith.constant 0 : index
      %swap3A_58 = vector.load %arg7[%swap3A_56, %swap3A_57] : memref<1x1xf32, #tpu.memory_space<vmem>>, vector<1x1xf32>
      tpu.vector_store %arg7[%swap3A_56, %swap3A_57], %reshape3A_55 {strides = array<i32>} : memref<1x1xf32, #tpu.memory_space<vmem>>, vector<1x1xf32>,
    } else {
    }
    return
  }
  func.func @transform_0(%arg0: i32) -> (i32, i32, i32) {
    %c0_i32 = arith.constant 0 : i32
    %c0_i32_0 = arith.constant 0 : i32
    %c0_i32_1 = arith.constant 0 : i32
    return %arg0, %c0_i32, %c0_i32_0 : i32, i32, i32
  }
  func.func @transform_1(%arg0: i32) -> (i32, i32) {
    %c0_i32 = arith.constant 0 : i32
    %c0_i32_0 = arith.constant 0 : i32
    return %arg0, %c0_i32 : i32, i32
  }
  func.func @transform_2(%arg0: i32) -> (i32, i32) {
    %c0_i32 = arith.constant 0 : i32
    %c0_i32_0 = arith.constant 0 : i32
    %c0_i32_1 = arith.constant 0 : i32
    return %c0_i32, %c0_i32_0 : i32, i32
  }
  func.func @transform_3(%arg0: i32) -> (i32, i32, i32) {
    %c0_i32 = arith.constant 0 : i32
    %c0_i32_0 = arith.constant 0 : i32
    %c0_i32_1 = arith.constant 0 : i32
    return %arg0, %c0_i32, %c0_i32_0 : i32, i32, i32
  }
  func.func @transform_4(%arg0: i32) -> (i32, i32) {
    %c0_i32 = arith.constant 0 : i32
    %c0_i32_0 = arith.constant 0 : i32
    %c0_i32_1 = arith.constant 0 : i32
    return %c0_i32, %c0_i32_0 : i32, i32
  }
  func.func @transform_5(%arg0: i32) -> (i32, i32) {
    %c0_i32 = arith.constant 0 : i32
    %c0_i32_0 = arith.constant 0 : i32
    %c0_i32_1 = arith.constant 0 : i32
    return %c0_i32, %c0_i32_0 : i32, i32
  }
  func.func @transform_6(%arg0: i32) -> (i32, i32) {
    %c0_i32 = arith.constant 0 : i32
    %c0_i32_0 = arith.constant 0 : i32
    %c0_i32_1 = arith.constant 0 : i32
    return %c0_i32, %c0_i32_0 : i32, i32
  }
}

</mosaic_0001>

<sc_bundles>
// kernel: kernel.5.cloned.1.call-start
scs
__scs_entry_jumppad:
0x0: {  	(pc) =	sbr.rel $0x88, $3  }
0x1: {  	(tag) =	ssettag $0x0;
	lr =	simm.s32 $0x1  }
0x2: {  	[smem:$0x3F9F] =	sst lr;
	_ =	strace $0xD0000000  }
0x3: {  	_ = 	snop  }
0x4: {  	_ = 	snop  }
0x5: {  	_ = 	snop  }
0x6: {  	_ = 	snop  }
0x7: {  	_ = 	snop  }
__scs_overlays_trampoline_lowered:
0x8: {  	[smem:$0x3FAE] =	sst s0  }
0x9: {  	[smem:$0x3FAF] =	sst s1  }
0xa: {  	[smem:$0x3FB0] =	sst s2  }
0xb: {  	[smem:$0x3FB1] =	sst s3  }
0xc: {  	[smem:$0x3FB2] =	sst s4  }
0xd: {  	[smem:$0x3FB3] =	sst s5  }
0xe: {  	[smem:$0x3FB4] =	sst s6  }
0xf: {  	[smem:$0x3FB5] =	sst s7  }
0x10: {  	[smem:$0x3FB6] =	sst s8  }
0x11: {  	[smem:$0x3FB7] =	sst s9;
	s0 =	simm.s32 @!p0 $0x0  }
0x12: {  	s1 =	sld [smem:$0x3F9D];
	s0 =	simm.s32 @p0 $0x1  }
0x13: {  	[smem:$0x3FB8] =	sst s0;
	s0 =	simm.s32 @!p1 $0x0  }
0x14: {  	s2 =	sld [smem:$0x3F9C];
	s0 =	simm.s32 @p1 $0x1  }
0x15: {  	[smem:$0x3FB9] =	sst s0;
	s0 =	simm.s32 @!p2 $0x0  }
0x16: {  	s3 =	sld [smem:$0x3FDB];
	s0 =	simm.s32 @p2 $0x1  }
0x17: {  	s4 =	simm.s32 $0x1BF5;
	[smem:$0x3FBB] =	sst s0  }
0x18: {  	s0 =	sld [smem:$0x3F9E];
	_ =	swait.ge [sflag:s4], $0x0  }
0x19: {  	s7 =	sld [smem:$0x3F9F]  }
0x1a: {  	s8 =	sadd.s32 $0xFFFFE003, lr  }
0x1b: {  	s9 =	sadd.s32 $0xFFFFFEF7, lr;
	s5 =	simm.s32 $0xFFFFFFFF;
	p2 =	slt.u32 s8, $0xFFFFF086  }
0x1c: {  	p1 =	slt.u32 s9, $0xF7A;
	s5 =	simm.s32 @!p2 $0x0  }
0x1d: {  	s5 =	simm.s32 @p1 $0x1;
	p0 =	seq.s32 s7, s2  }
0x1e: {  	s7 =	smul.u32 @!p0 $0xF7A, s2;
	p2 =	seq.s32 @!p0 s5, $0x0  }
0x1f: {  	s9 =	smul.u32 $0xF7A, s1;
	s8 =	simm.s32 @!p0 $0x1BF5;
	p2 =	por !p2, p0  }
0x20: {  	[sflag:s8] =	ssyncset.s32 @!p0 $0xFFFFF086;
	s6 =	sadd.s32 @!p0 s3, s7;
	s7 =	simm.s32 @!p0 $0x108  }
0x21: {  	s3 =	sadd.s32 s3, s9;
	s6 =	sadd.s32 @!p0 $0x88, s6;
	s7 =	simm.s32 @p2 $0x1082  }
0x22: {  	[simem:s7], [sflag:s8] =	dma.local @!p0 [hbm:s6], $0xF7A  }
0x23: {  	s9 =	sor.u32 $0xD0000000, s2;
	s6 =	simm.s32 $0x108;
	_ =	swait.ge @!p0 [sflag:s8], $0x0  }
0x24: {  	s3 =	sadd.s32 $0x88, s3;
	s6 =	simm.s32 @!p1 $0x1082;
	[sflag:s4] =	ssyncset.s32 $0xFFFFF086  }
0x25: {  	[simem:s6], [sflag:s4] =	dma.local [hbm:s3], $0xF7A  }
0x26: {  	[smem:$0x3F9F] =	sst s1;
	(tag) =	ssettag s2;
	_ =	strace s9  }
0x27: {  	s1 =	sld [smem:$0x3FAF]  }
0x28: {  	s2 =	sld [smem:$0x3FB0]  }
0x29: {  	s4 =	sld [smem:$0x3FB2]  }
0x2a: {  	p0 =	seq.s32 s5, $0x0;
	s5 =	sld [smem:$0x3FB3]  }
0x2b: {  	s6 =	sld [smem:$0x3FB4]  }
0x2c: {  	s7 =	sld [smem:$0x3FB5]  }
0x2d: {  	s3 =	simm.s32 $0x108;
	s8 =	sld [smem:$0x3FB6]  }
0x2e: {  	s3 =	simm.s32 @!p0 $0x1082;
	s9 =	sld [smem:$0x3FB7]  }
0x2f: {  	lr =	sadd.s32 s0, s3;
	s0 =	sld [smem:$0x3FAE]  }
0x30: {  	s3 =	sld [smem:$0x3FB1]  }
0x31: {  	[smem:$0x3FBA] =	sst s10  }
0x32: {  	s10 =	sld [smem:$0x3FB8];
	_ =	sdelay $0x3  }
0x33: {  	p0 =	seq.s32 s10, $0x1;
	s10 =	sld [smem:$0x3FBA];
	_ =	sdelay $0x3  }
0x34: {  	[smem:$0x3FBA] =	sst s10  }
0x35: {  	s10 =	sld [smem:$0x3FB9];
	_ =	sdelay $0x3  }
0x36: {  	p1 =	seq.s32 s10, $0x1;
	s10 =	sld [smem:$0x3FBA];
	_ =	sdelay $0x3  }
0x37: {  	[smem:$0x3FBA] =	sst s10  }
0x38: {  	s10 =	sld [smem:$0x3FBB]  }
0x39: {  	_ = 	snop;
	(pc) =	sbr.ind lr, $3  }
0x3a: {  	_ = 	snop  }
0x3b: {  	_ = 	snop  }
0x3c: {  	p2 =	seq.s32 s10, $0x1;
	s10 =	sld [smem:$0x3FBA]  }
0x3d: {  	_ =	shalt  }
0x3e: {  	_ =	shalt  }
0x3f: {  	_ =	shalt  }
0x40: {  	_ =	shalt  }
0x41: {  	_ =	shalt  }
0x42: {  	_ =	shalt  }
0x43: {  	_ =	shalt  }
0x44: {  	_ =	shalt  }
0x45: {  	_ =	shalt  }
0x46: {  	_ =	shalt  }
0x47: {  	_ =	shalt  }
0x48: {  	_ =	shalt  }
0x49: {  	_ =	shalt  }
0x4a: {  	_ =	shalt  }
0x4b: {  	_ =	shalt  }
0x4c: {  	_ =	shalt  }
0x4d: {  	_ =	shalt  }
0x4e: {  	_ =	shalt  }
0x4f: {  	_ =	shalt  }
0x50: {  	_ =	shalt  }
0x51: {  	_ =	shalt  }
0x52: {  	_ =	shalt  }
0x53: {  	_ =	shalt  }
0x54: {  	_ =	shalt  }
0x55: {  	_ =	shalt  }
0x56: {  	_ =	shalt  }
0x57: {  	_ =	shalt  }
0x58: {  	_ =	shalt  }
0x59: {  	_ =	shalt  }
0x5a: {  	_ =	shalt  }
0x5b: {  	_ =	shalt  }
0x5c: {  	_ =	shalt  }
0x5d: {  	_ =	shalt  }
0x5e: {  	_ =	shalt  }
0x5f: {  	_ =	shalt  }
0x60: {  	_ =	shalt  }
0x61: {  	_ =	shalt  }
0x62: {  	_ =	shalt  }
0x63: {  	_ =	shalt  }
0x64: {  	_ =	shalt  }
0x65: {  	_ =	shalt  }
0x66: {  	_ =	shalt  }
0x67: {  	_ =	shalt  }
0x68: {  	_ =	shalt  }
0x69: {  	_ =	shalt  }
0x6a: {  	_ =	shalt  }
0x6b: {  	_ =	shalt  }
0x6c: {  	_ =	shalt  }
0x6d: {  	_ =	shalt  }
0x6e: {  	_ =	shalt  }
0x6f: {  	_ =	shalt  }
0x70: {  	_ =	shalt  }
0x71: {  	_ =	shalt  }
0x72: {  	_ =	shalt  }
0x73: {  	_ =	shalt  }
0x74: {  	_ =	shalt  }
0x75: {  	_ =	shalt  }
0x76: {  	_ =	shalt  }
0x77: {  	_ =	shalt  }
0x78: {  	_ =	shalt  }
0x79: {  	_ =	shalt  }
0x7a: {  	_ =	shalt  }
0x7b: {  	_ =	shalt  }
0x7c: {  	_ =	shalt  }
0x7d: {  	_ =	shalt  }
0x7e: {  	_ =	shalt  }
0x7f: {  	_ =	shalt  }
0x80: {  	_ =	shalt  }
0x81: {  	_ =	shalt  }
0x82: {  	_ =	shalt  }
0x83: {  	_ =	shalt  }
0x84: {  	_ =	shalt  }
0x85: {  	_ =	shalt  }
0x86: {  	_ =	shalt  }
0x87: {  	_ =	shalt  }
.Lfunc_end0:
.L_simem_size_0:
called_computation_lowered:
.L_overlay_start_0:
0x88: {  	s2 =	sld [smem:$0x3FD9]  }
0x89: {  	s3 =	sld [smem:$0x3FFE];
	_ =	sdelay $0x1  }
0x8a: {  	s1 =	srdreg.scid  }
0x8b: {  	s0 =	sand.u32 $0x1, s1  }
0x8c: {  	s14 =	sshll.u32 s0, $0xA;
	s2 =	sadd.s32 s3, s2  }
0x8d: {  	s2 =	sadd.s32 s2, s14  }
0x8e: {  	[smem:$0x3FC6] =	sst s2  }
0x8f: {  	_ = 	snop  }
0x90: {  	s2 =	sld [smem:$0x3FD0];
	_ =	sdelay $0x2  }
0x91: {  	s15 =	simm.s32 $0xA;
	s4 =	simm.s32 $0x10  }
0x92: {  	[smem:s4], [sflag:s15] =	dma.local [hbm:s2], $0x1  }
0x93: {  	_ =	swait.eq [sflag:s15], $0x1  }
0x94: {  	[sflag:s15] =	ssyncset.done $0x0  }
0x95: {  	s16 =	sld [smem:$0x10];
	[sflag:s15] =	ssyncadd.s32 $0xFFFFFFFF  }
0x96: {  	s17 =	sld [smem:$0x11];
	(tm) =	ssettm $0x1  }
0x97: {  	s18 =	sld [smem:$0x3FFB];
	_ =	sdelay $0x3  }
0x98: {  	_ =	strace s18  }
0x99: {  	s4 =	sld [smem:$0x3FFC];
	_ =	sdelay $0x3  }
0x9a: {  	_ =	strace s4  }
0x9b: {  	s4 =	sld [smem:$0x3FFD];
	_ =	sdelay $0x3  }
0x9c: {  	_ =	strace s4  }
0x9d: {  	_ =	strace $0x8FFFFFFF  }
0x9e: {  	s19 =	sld [smem:$0x3FDB];
	_ =	sdelay $0x1  }
0x9f: {  	s5 =	simm.s32 $_scs_section_size  }
0xa0: {  	s6 =	simm.s32 $_size__tile_overlayer_lowered;
	s7 =	simm.s32 $_tile_overlayer_lowered  }
0xa1: {  	s22 =	simm.s32 $0x1BFF;
	s21 =	sshll.u32 s7, $0x1;
	s4 =	sadd.s32 s5, s19  }
0xa2: {  	s8 =	simm.s32 $0x0;
	s20 =	sshll.u32 s6, $0x1;
	s6 =	sadd.s32 s21, s4  }
0xa3: {  	[timem:s8], [sflag:s22] =	dma.local [hbm:s6], s20  }
0xa4: {  	_ =	swait.ge [sflag:s22], s20  }
0xa5: {  	s5 =	ssub.s32 $0x0, s20;
	[sflag:s22] =	ssyncset.done $0x0  }
0xa6: {  	[sflag:s22] =	ssyncadd.s32 s5;
	_ =	sdelay $0x1  }
0xa7: {  	s23 =	simm.s32 $0x1B8B  }
0xa8: {  	_ =	swait.ge [sflag:s23], $0x1  }
0xa9: {  	[sflag:s23] =	ssyncset.done $0x0  }
0xaa: {  	s25 =	simm.s32 $0x1B8E;
	s24 =	sld [smem:$0x3FFE];
	[sflag:s23] =	ssyncadd.s32 $0xFFFFFFFF  }
0xab: {  	s26 =	simm.s32 $execute0_lowered;
	[smem:$0x3FD2] =	sst s25  }
0xac: {  	s6 =	sshll.u32 s26, $0x1;
	_ =	strace $0x80000046;
	[dreg:$0x1] =	wrdreg $0xFFFFFFFF  }
0xad: {  	s28 =	simm.s32 $_size_execute0_lowered;
	s4 =	sadd.s32 s4, s6;
	[dreg:$0x0] =	wrdreg $0x0  }
0xae: {  	s6 =	sshll.u32 s28, $0x1;
	[dreg:$0x2] =	wrdreg s4  }
0xaf: {  	[dreg:$0x3] =	wrdreg s6  }
0xb0: {  	[dreg:$0x4] =	wrdreg $0xC0  }
0xb1: {  	_ =	task [dreg:s8], $0x5FFFF  }
0xb2: {  	[dreg:$0x1] =	wrdreg $0xFFFFFFFF  }
0xb3: {  	[dreg:$0x0] =	wrdreg $0x60  }
0xb4: {  	[dreg:$0x2] =	wrdreg s16  }
0xb5: {  	[dreg:$0x3] =	wrdreg s17  }
0xb6: {  	[dreg:$0x4] =	wrdreg s24  }
0xb7: {  	[dreg:$0x5] =	wrdreg $0x83000  }
0xb8: {  	[dreg:$0x6] =	wrdreg $0x9  }
0xb9: {  	_ =	task.clear_ibuf [dreg:s8], $0x7FFFF;
	_ =	strace $0x90000046  }
0xba: {  	s29 =	simm.s32 $0x9;
	_ =	strace $0x80000048  }
0xbb: {  	_ =	swait.ge [sflag:s29], $0x1  }
0xbc: {  	[sflag:s29] =	ssyncadd.s32 $0xFFFFFFFF  }
0xbd: {  	_ =	strace $0x90000048  }
0xbe: {  	_ =	sfence  }
0xbf: {  	s30 =	sld [smem:$0x0];
	_ =	sdelay $0x2  }
0xc0: {  	s31 =	sshll.u32 s1, $0xD;
	s1 =	sshrl.u32 s1, $0x2  }
0xc1: {  	s3 =	sand.u32 $0x4000, s31;
	s1 =	sadd.s32 s1, s30  }
0xc2: {  	s0 =	sor.u32 s3, s0;
	s1 =	sshll.u32 s1, $0x11  }
0xc3: {  	s0 =	sor.u32 s1, s0  }
0xc4: {  	s0 =	sadd.s32 $0x8F2B, s0  }
0xc5: {  	[sflag:s0] =	ssyncadd.remote.s32 $0x1  }
0xc6: {  	_ =	sfence.sel $0xFFFF  }
0xc7: {  	[dreg:$0x0] =	wrdreg $0xFFFFFFFF;
	(pc) =	sbr.abs _section_cstart, $3  }
0xc8: {  	[dreg:$0x1] =	wrdreg $0xFFFFFFFF  }
0xc9: {  	_ =	task.clear_ibuf [dreg:s8], $0x2FFFF;
	_ =	strace $0x9FFFFFFF  }
0xca: {  	(tm) =	ssettm $0x7FFFFFFF  }
0xcb: {  	_ =	shalt  }
tec
execute0_lowered:
.L_overlay_start_1:
0x0: {  	(tag) =	ssettag $0x1  }
0x1: {  	s6 =	rddreg [dreg:$0x0]  }
0x2: {  	s2 =	rddreg [dreg:$0x1];
	s0 =	srdreg.scid  }
0x3: {  	s8 =	rddreg [dreg:$0x2];
	s9 =	sand.u32 $0x1, s0;
	s0 =	stileid.u32  }
0x4: {  	s4 =	rddreg [dreg:$0x3];
	s5 =	sshll.u32 s9, $0xC;
	s7 =	sshll.u32 s0, $0x8  }
0x5: {  	s1 =	rddreg [dreg:$0x4];
	s3 =	simm.s32 $0x0;
	s10 =	sor.u32 s7, s5  }
0x6: {  	[smem:$0x7FF] =	sst s3;
	s5 =	sshrl.u32 s10, $0x3  }
0x7: {  	_ =	strace $0x80000047;
	s7 =	sadd.s32 s2, s5;
	s2 =	simm.s32 $0x2  }
0x8: {  	[tilespmem:s3], [sflag:$0x2] =	stream.linear.gather [hbm4b:s7+s3], $0x100, $0x38;
	[tilespmem:$0x8500] =	vst v63  }
0x9: {  	_ =	swait.ge [sflag:s2], $0x100  }
0xa: {  	[sflag:s2] =	ssyncset.done $0x0  }
0xb: {  	s5 =	simm.s32 $0x100;
	[sflag:s2] =	ssyncadd.s32 $0xFFFFFF00  }
0xc: {  	v0 =	vimm.f32 $0.0e+00;
	[tilespmem:s5], [sflag:$0x1] =	stream.indirect.gather [hbm4b:s6+s5], $0x80, s3, s5, $0xb8;
	[tilespmem:$0x8500] =	vst v63  }
0xd: {  	v1 =	vimm.f32 $1.000000000e+00;
	[tilespmem:$0x82F0] =	vst v0  }
0xe: {  	[tilespmem:$0x81F0] =	vst v1  }
0xf: {  	[tilespmem:$0x82E0] =	vst v0  }
0x10: {  	[tilespmem:$0x81E0] =	vst v1  }
0x11: {  	[tilespmem:$0x82D0] =	vst v0  }
0x12: {  	[tilespmem:$0x81D0] =	vst v1  }
0x13: {  	[tilespmem:$0x82C0] =	vst v0  }
0x14: {  	[tilespmem:$0x81C0] =	vst v1  }
0x15: {  	[tilespmem:$0x82B0] =	vst v0  }
0x16: {  	[tilespmem:$0x81B0] =	vst v1  }
0x17: {  	[tilespmem:$0x82A0] =	vst v0  }
0x18: {  	[tilespmem:$0x81A0] =	vst v1  }
0x19: {  	[tilespmem:$0x8290] =	vst v0  }
0x1a: {  	[tilespmem:$0x8190] =	vst v1  }
0x1b: {  	[tilespmem:$0x8280] =	vst v0  }
0x1c: {  	s11 =	ssub.s32 $0x2, s9;
	[tilespmem:$0x8180] =	vst v1  }
0x1d: {  	s12 =	sshrl.u32 s11, $0x1;
	[tilespmem:$0x8270] =	vst v0  }
0x1e: {  	s18 =	simm.s32 $0x8200;
	s11 =	ssub.s32 s11, s12;
	[tilespmem:$0x8170] =	vst v1  }
0x1f: {  	s17 =	simm.s32 $0x8100;
	s16 =	simm.s32 $0x10;
	s19 =	smax.u32 s11, $0x1;
	[tilespmem:$0x8260] =	vst v0  }
0x20: {  	s9 =	sshll.u32 s9, $0x4;
	s26 =	sshll.u32 s0, $0x9;
	p0 =	sne.s32 s19, $0x1;
	[tilespmem:$0x8160] =	vst v1  }
.Ltmp0:
0x21: {  	s29 =	sshll.u32 s0, $0x7;
	s31 =	sshll.u32 s0, $0x6;
	[tilespmem:$0x8250] =	vst v0;
	(pc) =	sbr.rel @!p0 .LBB2_2-.Ltmp0, $4  }
0x22: {  	s13 =	sadd.s32 s9, s8;
	s14 =	sadd.s32 s26, s4;
	s28 =	sshll.u32 s10, $0x4;
	[tilespmem:$0x8150] =	vst v1  }
0x23: {  	s15 =	sadd.s32 $0x100, s14;
	s30 =	sadd.s32 s29, s13;
	s10 =	simm.s32 $0x1;
	[tilespmem:$0x8240] =	vst v0  }
0x24: {  	s12 =	sshrl.u32 s14, $0x3;
	s13 =	simm.s32 $0x20;
	s9 =	sadd.s32 s8, s28;
	[tilespmem:$0x8140] =	vst v1  }
0x25: {  	s8 =	sadd.s32 $0x20000, s30;
	s11 =	sor.u32 $0x1C02, s31;
	s19 =	sadd.s32 $0xFFFFFFFF, s19;
	[tilespmem:$0x8230] =	vst v0  }
.LBB2_1:
0x26: {  	p0 =	sne.s32 s19, $0x1;
	s19 =	sadd.s32 $0xFFFFFFFF, s19;
	[tilespmem:$0x8130] =	vst v1  }
0x27: {  	[tilespmem:$0x8220] =	vst v0  }
0x28: {  	[tilespmem:$0x8120] =	vst v1  }
0x29: {  	[tilespmem:$0x8210] =	vst v0  }
0x2a: {  	[tilespmem:$0x8110] =	vst v1  }
0x2b: {  	[tilespmem:$0x8100] =	vst v1  }
0x2c: {  	[tilespmem:$0x8200] =	vst v0  }
0x2d: {  	[spmem:s14] =	stream.linear.scatter [tilespmem:s18], [sflag:$0x2], $0x100, $0x38;
	[tilespmem:$0x8500] =	vst v63  }
0x2e: {  	_ =	swait.ge [sflag:s2], $0x100  }
0x2f: {  	[sflag:s2] =	ssyncset.done $0x0  }
0x30: {  	[sflag:s2] =	ssyncadd.s32 $0xFFFFFF00  }
0x31: {  	[spmem:s15] =	stream.linear.scatter [tilespmem:s18], [sflag:$0x2], $0x100, $0x38;
	[tilespmem:$0x8500] =	vst v63  }
0x32: {  	_ =	swait.ge [sflag:s2], $0x100  }
0x33: {  	[sflag:s2] =	ssyncset.done $0x0  }
0x34: {  	[sflag:s2] =	ssyncadd.s32 $0xFFFFFF00  }
0x35: {  	[bflag:$0x0] =	sbarrier.arrive $0xFFFF  }
0x36: {  	[spmem:s4] =	stream.indirect.scatter.add.f32 [tilespmem:s17], [sflag:$0x2], $0x1, s3, s5, $0xb8;
	[tilespmem:$0x8500] =	vst v63  }
0x37: {  	_ =	swait.ge [sflag:s2], $0x100  }
0x38: {  	[sflag:s2] =	ssyncset.done $0x0  }
0x39: {  	[sflag:s2] =	ssyncadd.s32 $0xFFFFFF00  }
0x3a: {  	_ =	swait.ge [sflag:s10], $0x8000  }
0x3b: {  	[sflag:s10] =	ssyncset.done $0x0  }
0x3c: {  	[sflag:s10] =	ssyncadd.s32 $0xFFFF8000  }
0x3d: {  	[hbm4b:s9+s3] =	stream.linear.scatter [tilespmem:s5], [sflag:$0x2], $0x8000, $0x38;
	[tilespmem:$0x8500] =	vst v63  }
0x3e: {  	_ =	swait.ge [sflag:s2], $0x8000  }
0x3f: {  	[sflag:s2] =	ssyncset.done $0x0  }
0x40: {  	[sflag:s2] =	ssyncadd.s32 $0xFFFF8000  }
0x41: {  	[bflag:$0x0] =	sbarrier.arrive $0xFFFF  }
0x42: {  	[hbm:s8@s13], [sflag:s11] =	dma.strided [spmem:s12@s16], $0x40, s10, $0x10   }
0x43: {  	_ =	swait.ge [sflag:s2], $0x40  }
0x44: {  	[sflag:s2] =	ssyncset.done $0x0  }
0x45: {  	[sflag:s2] =	ssyncadd.s32 $0xFFFFFFC0  }
0x46: {  	[tilespmem:s3], [sflag:$0x2] =	stream.linear.gather [hbm4b:s7+s3], $0x100, $0x38;
	[tilespmem:$0x8500] =	vst v63  }
0x47: {  	_ =	swait.ge [sflag:s2], $0x100  }
0x48: {  	[sflag:s2] =	ssyncset.done $0x0  }
0x49: {  	[sflag:s2] =	ssyncadd.s32 $0xFFFFFF00  }
0x4a: {  	[tilespmem:s5], [sflag:$0x1] =	stream.indirect.gather [hbm4b:s6+s5], $0x80, s3, s5, $0xb8;
	[tilespmem:$0x8500] =	vst v63  }
0x4b: {  	[tilespmem:$0x82F0] =	vst v0  }
0x4c: {  	[tilespmem:$0x81F0] =	vst v1  }
0x4d: {  	[tilespmem:$0x82E0] =	vst v0  }
0x4e: {  	[tilespmem:$0x81E0] =	vst v1  }
0x4f: {  	[tilespmem:$0x82D0] =	vst v0  }
0x50: {  	[tilespmem:$0x81D0] =	vst v1  }
0x51: {  	[tilespmem:$0x82C0] =	vst v0  }
0x52: {  	[tilespmem:$0x81C0] =	vst v1  }
0x53: {  	[tilespmem:$0x82B0] =	vst v0  }
0x54: {  	[tilespmem:$0x81B0] =	vst v1  }
0x55: {  	[tilespmem:$0x82A0] =	vst v0  }
0x56: {  	[tilespmem:$0x81A0] =	vst v1  }
0x57: {  	[tilespmem:$0x8290] =	vst v0  }
0x58: {  	[tilespmem:$0x8190] =	vst v1  }
0x59: {  	[tilespmem:$0x8280] =	vst v0  }
0x5a: {  	[tilespmem:$0x8180] =	vst v1  }
0x5b: {  	[tilespmem:$0x8270] =	vst v0  }
0x5c: {  	[tilespmem:$0x8170] =	vst v1  }
0x5d: {  	[tilespmem:$0x8260] =	vst v0  }
0x5e: {  	[tilespmem:$0x8160] =	vst v1  }
.Ltmp1:
0x5f: {  	[tilespmem:$0x8250] =	vst v0;
	(pc) =	sbr.rel @p0 .LBB2_1-.Ltmp1, $4  }
0x60: {  	[tilespmem:$0x8150] =	vst v1  }
0x61: {  	[tilespmem:$0x8240] =	vst v0  }
0x62: {  	[tilespmem:$0x8140] =	vst v1  }
0x63: {  	[tilespmem:$0x8230] =	vst v0  }
.LBB2_2:
0x64: {  	[tilespmem:$0x8130] =	vst v1  }
0x65: {  	[tilespmem:$0x8220] =	vst v0  }
0x66: {  	[tilespmem:$0x8120] =	vst v1  }
0x67: {  	[tilespmem:$0x8210] =	vst v0  }
0x68: {  	[tilespmem:$0x8110] =	vst v1  }
0x69: {  	[tilespmem:$0x8100] =	vst v1  }
0x6a: {  	[tilespmem:$0x8200] =	vst v0  }
0x6b: {  	[spmem:s14] =	stream.linear.scatter [tilespmem:s18], [sflag:$0x2], $0x100, $0x38;
	[tilespmem:$0x8500] =	vst v63  }
0x6c: {  	_ =	swait.ge [sflag:s2], $0x100  }
0x6d: {  	[sflag:s2] =	ssyncset.done $0x0  }
0x6e: {  	[sflag:s2] =	ssyncadd.s32 $0xFFFFFF00  }
0x6f: {  	[spmem:s15] =	stream.linear.scatter [tilespmem:s18], [sflag:$0x2], $0x100, $0x38;
	[tilespmem:$0x8500] =	vst v63  }
0x70: {  	_ =	swait.ge [sflag:s2], $0x100  }
0x71: {  	[sflag:s2] =	ssyncset.done $0x0  }
0x72: {  	[sflag:s2] =	ssyncadd.s32 $0xFFFFFF00  }
0x73: {  	[bflag:$0x0] =	sbarrier.arrive $0xFFFF  }
0x74: {  	[spmem:s4] =	stream.indirect.scatter.add.f32 [tilespmem:s17], [sflag:$0x2], $0x1, s3, s5, $0xb8;
	[tilespmem:$0x8500] =	vst v63  }
0x75: {  	_ =	swait.ge [sflag:s2], $0x100  }
0x76: {  	[sflag:s2] =	ssyncset.done $0x0  }
0x77: {  	[sflag:s2] =	ssyncadd.s32 $0xFFFFFF00  }
0x78: {  	_ =	swait.ge [sflag:s10], $0x8000  }
0x79: {  	[sflag:s10] =	ssyncset.done $0x0  }
0x7a: {  	[sflag:s10] =	ssyncadd.s32 $0xFFFF8000  }
0x7b: {  	[hbm4b:s9+s3] =	stream.linear.scatter [tilespmem:s5], [sflag:$0x2], $0x8000, $0x38;
	[tilespmem:$0x8500] =	vst v63  }
0x7c: {  	_ =	swait.ge [sflag:s2], $0x8000  }
0x7d: {  	[sflag:s2] =	ssyncset.done $0x0  }
0x7e: {  	[sflag:s2] =	ssyncadd.s32 $0xFFFF8000  }
0x7f: {  	[bflag:$0x0] =	sbarrier.arrive $0xFFFF  }
0x80: {  	[hbm:s8@s13], [sflag:s11] =	dma.strided [spmem:s12@s16], $0x40, s10, $0x10   }
0x81: {  	_ =	swait.ge [sflag:s2], $0x40  }
0x82: {  	[sflag:s2] =	ssyncset.done $0x0  }
0x83: {  	[sflag:s2] =	ssyncadd.s32 $0xFFFFFFC0  }
0x84: {  	_ =	sfence.sel $0x180000  }
0x85: {  	[bflag:$0x0] =	sbarrier.arrive $0xFFFF  }
0x86: {  	p0 =	sne.s32 s0, $0x0;
	_ =	strace $0x90000047  }
0x87: {  	s0 =	sadd.s32 @!p0 $0x100000, s1;
	[bflag:$0x2] =	sbarrier.arrive $0xFFFF  }
0x88: {  	[sflag:s0] =	ssyncadd.tile.s32 @!p0 $0x1;
	_ =	shalt  }
.Lfunc_end2:
_tile_overlayer_lowered:
.L_overlay_start_2:
0x89: {  	(tag) =	ssettag $0x2  }
0x8a: {  	s0 =	rddreg [dreg:$0x0];
	s2 =	stileid.u32  }
0x8b: {  	s1 =	rddreg [dreg:$0x1];
	p0 =	sne.s32 s2, $0x0  }
0x8c: {  	s3 =	rddreg [dreg:$0x2];
	[bflag:$0x3] =	sbarrier.arrive $0xFFFF;
	s2 =	simm.s32 @!p0 $0x1C02  }
0x8d: {  	[timem:s3], [sflag:s2] =	dma.local @!p0 [hbm:s0], s1  }
0x8e: {  	s0 =	simm.s32 @!p0 $0x2  }
0x8f: {  	_ =	swait.ge @!p0 [sflag:s0], s1  }
0x90: {  	s1 =	ssub.s32 @!p0 $0x0, s1;
	[sflag:s0] =	ssyncset.done @!p0 $0x0  }
0x91: {  	[sflag:s0] =	ssyncadd.s32 @!p0 s1  }
0x92: {  	[bflag:$0x3] =	sbarrier.arrive $0xFFFF  }
0x93: {  	_ =	shalt  }

</sc_bundles>
